<compile_context>
chip_gen: v7x
topology: tpu7x:2x2x1
jax: 0.10.2.dev20260603
libtpu: 0.0.44.dev20260713+nightly
codegen_flags: <defaults>
</compile_context>

<pallas_src>
import functools

import jax
import jax.numpy as jnp
from jax import lax
from jax.experimental import pallas as pl
from jax.experimental.pallas import tpu as pltpu
from jax.experimental.pallas import tpu_sc as plsc

_NC = 2
_NS = 16
_NW = _NC * _NS
_L = 16


def _make_sc_kernel(B: int, F: int, R: int):
    rows_per_w = B // _NW
    chunks = rows_per_w // R
    blocks_per_col = R // _L
    mesh = plsc.VectorSubcoreMesh(core_axis_name="c", subcore_axis_name="s")

    @functools.partial(
        pl.kernel,
        out_type=jax.ShapeDtypeStruct((F, 2 * B), jnp.float32),
        mesh=mesh,
        compiler_params=pltpu.CompilerParams(needs_layout_passes=False),
        scratch_types=[
            pltpu.VMEM((F, R), jnp.int32),
            pltpu.VMEM((F, R), jnp.int32),
            pltpu.VMEM((F, R), jnp.float32),
            pltpu.VMEM((F, R), jnp.float32),
            pltpu.VMEM((F, R), jnp.float32),
            pltpu.VMEM((F, R), jnp.float32),
            pltpu.VMEM((_L, _L), jnp.float32),
            pltpu.VMEM((_L, _L), jnp.float32),
            pltpu.VMEM((_L,), jnp.float32),
            pltpu.VMEM((_L,), jnp.float32),
            pltpu.VMEM((_L,), jnp.float32),
            pltpu.VMEM((_L,), jnp.float32),
            pltpu.SemaphoreType.DMA,
            pltpu.SemaphoreType.DMA,
        ],
    )
    def sc_kernel(x_hbm, t1_hbm, t2_hbm, w_hbm, b_hbm, out_hbm,
                  x0_v, x1_v, o1a_v, o1b_v, o2a_v, o2b_v,
                  t1_v, t2_v, w_v, b_v, lut1_v, lut2_v,
                  in_sem, out_sem):
        x_bufs = (x0_v, x1_v)
        o1_bufs = (o1a_v, o1b_v)
        o2_bufs = (o2a_v, o2b_v)
        pltpu.sync_copy(t1_hbm, t1_v)
        pltpu.sync_copy(t2_hbm, t2_v)
        pltpu.sync_copy(w_hbm, w_v)
        pltpu.sync_copy(b_hbm, b_v)

        lanes = lax.iota(jnp.int32, _L)
        wv = w_v[...]
        acc1 = b_v[...]
        acc2 = b_v[...]
        for k in range(10):
            kk = jnp.full((_L,), k, jnp.int32)
            wk = jnp.sum(jnp.where(lanes == k, wv, 0.0))
            acc1 = acc1 + plsc.load_gather(t1_v, [lanes, kk]) * wk
            acc2 = acc2 + plsc.load_gather(t2_v, [lanes, kk]) * wk
        lut1_v[...] = acc1
        lut2_v[...] = acc2

        wid = lax.axis_index("s") * _NC + lax.axis_index("c")
        row0 = wid * rows_per_w

        def in_copy(c, buf):
            return pltpu.make_async_copy(
                x_hbm.at[:, pl.ds(row0 + c * R, R)], x_bufs[buf], in_sem)

        def out_copies(c):
            buf = c & 1
            return (
                pltpu.make_async_copy(
                    o1_bufs[buf], out_hbm.at[:, pl.ds(row0 + c * R, R)], out_sem),
                pltpu.make_async_copy(
                    o2_bufs[buf], out_hbm.at[:, pl.ds(B + row0 + c * R, R)], out_sem),
            )

        in_copy(0, 0).start()
        for c in range(chunks):
            buf = c & 1
            in_copy(c, buf).wait()
            if c + 1 < chunks:
                in_copy(c + 1, buf ^ 1).start()
            if c >= 2:
                for cp in out_copies(c - 2):
                    cp.wait()
            x_c = x_bufs[buf]
            o1_c = o1_bufs[buf]
            o2_c = o2_bufs[buf]

            @plsc.parallel_loop(0, F * blocks_per_col, unroll=8)
            def _(t):
                f = t // blocks_per_col
                rb = (t % blocks_per_col) * _L
                idx = x_c[f, pl.ds(rb, _L)]
                o1_c[f, pl.ds(rb, _L)] = plsc.load_gather(lut1_v, [idx])
                o2_c[f, pl.ds(rb, _L)] = plsc.load_gather(lut2_v, [idx])

            for cp in out_copies(c):
                cp.start()

        for c in range(max(chunks - 2, 0), chunks):
            for cp in out_copies(c):
                cp.wait()

    return sc_kernel


@jax.jit
def kernel(x, table1, table2, W, b):
    B, F = x.shape
    t1p = jnp.zeros((_L, _L), jnp.float32).at[:10, :10].set(table1)
    t2p = jnp.zeros((_L, _L), jnp.float32).at[:10, :10].set(table2)
    wp = jnp.zeros((_L,), jnp.float32).at[:10].set(W[:, 0])
    bp = jnp.broadcast_to(b, (_L,))
    out_fm = _make_sc_kernel(B, F, R=128)(x.T, t1p, t2p, wp, bp)
    return out_fm.T.reshape(2 * B, F, 1)

# --- scband reference (transcript-rebuilt; emitter-appended) ---
"""Pipeline reference for scband-embedding-cat-linear-model-1486058684665 (READ-ONLY COPY).

The authoritative reference and input builder live on the scoring server;
editing this copy changes nothing except your own understanding.
"""

import jax, jax.numpy as jnp
import numpy as np


def setup_inputs(seed: int = 0) -> dict:
    key = jax.random.key(seed)
    k1, k2, k3, k4, k5 = jax.random.split(key, 5)
    x = jax.random.randint(k1, (16384, 100), 0, 10, dtype=jnp.int32)
    table1 = jax.random.normal(k2, (10, 10), dtype=jnp.float32)
    table2 = jax.random.normal(k3, (10, 10), dtype=jnp.float32)
    W = jax.random.normal(k4, (10, 1), dtype=jnp.float32) * 0.1
    b = jax.random.normal(k5, (1,), dtype=jnp.float32) * 0.01
    return {"x": x, "table1": table1, "table2": table2, "W": W, "b": b}


def reference(x, table1, table2, W, b):
    # y1 = embedding1(x); y2 = embedding2(x)
    y1 = jnp.take(table1, x, axis=0)  # [B, F, 10]
    y2 = jnp.take(table2, x, axis=0)  # [B, F, 10]
    # z = torch.cat([y1, y2])  -> concatenates along dim 0
    z = jnp.concatenate([y1, y2], axis=0)  # [2B, F, 10]
    # linear(z)
    return z @ W + b  # [2B, F, 1]

if __name__ == "__main__":
    import jax
    _d = setup_inputs()
    print(jax.jit(kernel)(*tuple(_d.values())))

</pallas_src>

<mosaic_0001>
#map = affine_map<(d0, d1) -> (0, 0)>
#map1 = affine_map<(d0, d1) -> (0)>
module attributes {stable_mosaic.version = 14 : i64} {
  func.func @sc_kernel(%arg0: i32, %arg1: i32, %arg2: memref<100x16384xi32, #tpu.memory_space<hbm>>, %arg3: memref<16x16xf32, #tpu.memory_space<hbm>>, %arg4: memref<16x16xf32, #tpu.memory_space<hbm>>, %arg5: memref<16xf32, #tpu.memory_space<hbm>>, %arg6: memref<16xf32, #tpu.memory_space<hbm>>, %arg7: memref<100x32768xf32, #tpu.memory_space<hbm>>, %arg8: memref<100x128xi32, #tpu.memory_space<vmem>>, %arg9: memref<100x128xi32, #tpu.memory_space<vmem>>, %arg10: memref<100x128xf32, #tpu.memory_space<vmem>>, %arg11: memref<100x128xf32, #tpu.memory_space<vmem>>, %arg12: memref<100x128xf32, #tpu.memory_space<vmem>>, %arg13: memref<100x128xf32, #tpu.memory_space<vmem>>, %arg14: memref<16x16xf32, #tpu.memory_space<vmem>>, %arg15: memref<16x16xf32, #tpu.memory_space<vmem>>, %arg16: memref<16xf32, #tpu.memory_space<vmem>>, %arg17: memref<16xf32, #tpu.memory_space<vmem>>, %arg18: memref<16xf32, #tpu.memory_space<vmem>>, %arg19: memref<16xf32, #tpu.memory_space<vmem>>, %arg20: memref<!tpu.dma_semaphore, #tpu.memory_space<semaphore_mem>>, %arg21: memref<!tpu.dma_semaphore, #tpu.memory_space<semaphore_mem>>) attributes {dimension_semantics = [#tpu.dimension_semantics<core_parallel>, #tpu.dimension_semantics<subcore_parallel>], iteration_bounds = array<i64: 2, 16>, scalar_prefetch = 0 : i64, scratch_operands = 14 : i64, tpu.core_type = #tpu.core_type<sc_vector_subcore>, window_params = [{transform_indices = #map}, {transform_indices = #map}, {transform_indices = #map}, {transform_indices = #map1}, {transform_indices = #map1}, {transform_indices = #map}]} {
    "tpu.region"() ({
      %run_scoped3A = tpu.sem_alloc : memref<!tpu.dma_semaphore, #tpu.memory_space<semaphore_mem>>
      tpu.enqueue_dma source(%arg3 : memref<16x16xf32, #tpu.memory_space<hbm>>) target(%arg14 : memref<16x16xf32, #tpu.memory_space<vmem>>) target_semaphore(%run_scoped3A : memref<!tpu.dma_semaphore, #tpu.memory_space<semaphore_mem>>)
      tpu.wait_dma2 semaphore(%run_scoped3A : memref<!tpu.dma_semaphore, #tpu.memory_space<semaphore_mem>>) src(%arg3 : memref<16x16xf32, #tpu.memory_space<hbm>>) dst(%arg14 : memref<16x16xf32, #tpu.memory_space<vmem>>)
      tpu.yield
    }) : () -> ()
    "tpu.region"() ({
      %run_scoped3A = tpu.sem_alloc : memref<!tpu.dma_semaphore, #tpu.memory_space<semaphore_mem>>
      tpu.enqueue_dma source(%arg4 : memref<16x16xf32, #tpu.memory_space<hbm>>) target(%arg15 : memref<16x16xf32, #tpu.memory_space<vmem>>) target_semaphore(%run_scoped3A : memref<!tpu.dma_semaphore, #tpu.memory_space<semaphore_mem>>)
      tpu.wait_dma2 semaphore(%run_scoped3A : memref<!tpu.dma_semaphore, #tpu.memory_space<semaphore_mem>>) src(%arg4 : memref<16x16xf32, #tpu.memory_space<hbm>>) dst(%arg15 : memref<16x16xf32, #tpu.memory_space<vmem>>)
      tpu.yield
    }) : () -> ()
    "tpu.region"() ({
      %run_scoped3A = tpu.sem_alloc : memref<!tpu.dma_semaphore, #tpu.memory_space<semaphore_mem>>
      tpu.enqueue_dma source(%arg5 : memref<16xf32, #tpu.memory_space<hbm>>) target(%arg16 : memref<16xf32, #tpu.memory_space<vmem>>) target_semaphore(%run_scoped3A : memref<!tpu.dma_semaphore, #tpu.memory_space<semaphore_mem>>)
      tpu.wait_dma2 semaphore(%run_scoped3A : memref<!tpu.dma_semaphore, #tpu.memory_space<semaphore_mem>>) src(%arg5 : memref<16xf32, #tpu.memory_space<hbm>>) dst(%arg16 : memref<16xf32, #tpu.memory_space<vmem>>)
      tpu.yield
    }) : () -> ()
    "tpu.region"() ({
      %run_scoped3A = tpu.sem_alloc : memref<!tpu.dma_semaphore, #tpu.memory_space<semaphore_mem>>
      tpu.enqueue_dma source(%arg6 : memref<16xf32, #tpu.memory_space<hbm>>) target(%arg17 : memref<16xf32, #tpu.memory_space<vmem>>) target_semaphore(%run_scoped3A : memref<!tpu.dma_semaphore, #tpu.memory_space<semaphore_mem>>)
      tpu.wait_dma2 semaphore(%run_scoped3A : memref<!tpu.dma_semaphore, #tpu.memory_space<semaphore_mem>>) src(%arg6 : memref<16xf32, #tpu.memory_space<hbm>>) dst(%arg17 : memref<16xf32, #tpu.memory_space<vmem>>)
      tpu.yield
    }) : () -> ()
    %iota3A = tpu.iota {dimensions = array<i32: 0>} : vector<16xi32>
    %get3A = arith.constant 0 : index
    %get3A_0 = tpu.vector_load %arg16[%get3A] {strides = array<i32>} : memref<16xf32, #tpu.memory_space<vmem>>, vector<16xf32>,
    %get3A_1 = arith.constant 0 : index
    %get3A_2 = tpu.vector_load %arg17[%get3A_1] {strides = array<i32>} : memref<16xf32, #tpu.memory_space<vmem>>, vector<16xf32>,
    %get3A_3 = arith.constant 0 : index
    %get3A_4 = tpu.vector_load %arg17[%get3A_3] {strides = array<i32>} : memref<16xf32, #tpu.memory_space<vmem>>, vector<16xf32>,
    %broadcast_in_dim3A = arith.constant 0 : i32
    %broadcast_in_dim3A_5 = vector.broadcast %broadcast_in_dim3A : i32 to vector<16xi32>
    %eq3A = arith.constant 0 : i32
    %eq3A_6 = vector.broadcast %eq3A : i32 to vector<16xi32>
    %eq3A_7 = arith.cmpi eq, %iota3A, %eq3A_6 : vector<16xi32>
    %jit3A = arith.constant 0.000000e+00 : f32
    %broadcast_in_dim3A_8 = vector.broadcast %jit3A : f32 to vector<16xf32>
    %select_n3A = arith.select %eq3A_7, %get3A_0, %broadcast_in_dim3A_8 : vector<16xi1>, vector<16xf32>
    %reduce_sum3A = arith.constant true
    %reduce_sum3A_9 = vector.broadcast %reduce_sum3A : i1 to vector<16xi1>
    %reduce_sum3A_10 = tpu.scan <sum>, %select_n3A masked %reduce_sum3A_9 : vector<16xf32>, vector<16xi1> -> vector<16xf32>
    %reduce_sum3A_11 = vector.extract %reduce_sum3A_10[15] : f32 from vector<16xf32>
    %gather3A = tpu.vector_load_idx %arg14[%iota3A, %broadcast_in_dim3A_5] : memref<16x16xf32, #tpu.memory_space<vmem>>[vector<16xi32>, vector<16xi32>], vector<16xf32>,
    %mul3A = vector.broadcast %reduce_sum3A_11 : f32 to vector<16xf32>
    %mul3A_12 = arith.mulf %gather3A, %mul3A : vector<16xf32>
    %add3A = arith.addf %get3A_2, %mul3A_12 : vector<16xf32>
    %gather3A_13 = tpu.vector_load_idx %arg15[%iota3A, %broadcast_in_dim3A_5] : memref<16x16xf32, #tpu.memory_space<vmem>>[vector<16xi32>, vector<16xi32>], vector<16xf32>,
    %mul3A_14 = vector.broadcast %reduce_sum3A_11 : f32 to vector<16xf32>
    %mul3A_15 = arith.mulf %gather3A_13, %mul3A_14 : vector<16xf32>
    %add3A_16 = arith.addf %get3A_4, %mul3A_15 : vector<16xf32>
    %broadcast_in_dim3A_17 = arith.constant 1 : i32
    %broadcast_in_dim3A_18 = vector.broadcast %broadcast_in_dim3A_17 : i32 to vector<16xi32>
    %eq3A_19 = arith.constant 1 : i32
    %eq3A_20 = vector.broadcast %eq3A_19 : i32 to vector<16xi32>
    %eq3A_21 = arith.cmpi eq, %iota3A, %eq3A_20 : vector<16xi32>
    %jit3A_22 = arith.constant 0.000000e+00 : f32
    %broadcast_in_dim3A_23 = vector.broadcast %jit3A_22 : f32 to vector<16xf32>
    %select_n3A_24 = arith.select %eq3A_21, %get3A_0, %broadcast_in_dim3A_23 : vector<16xi1>, vector<16xf32>
    %reduce_sum3A_25 = arith.constant true
    %reduce_sum3A_26 = vector.broadcast %reduce_sum3A_25 : i1 to vector<16xi1>
    %reduce_sum3A_27 = tpu.scan <sum>, %select_n3A_24 masked %reduce_sum3A_26 : vector<16xf32>, vector<16xi1> -> vector<16xf32>
    %reduce_sum3A_28 = vector.extract %reduce_sum3A_27[15] : f32 from vector<16xf32>
    %gather3A_29 = tpu.vector_load_idx %arg14[%iota3A, %broadcast_in_dim3A_18] : memref<16x16xf32, #tpu.memory_space<vmem>>[vector<16xi32>, vector<16xi32>], vector<16xf32>,
    %mul3A_30 = vector.broadcast %reduce_sum3A_28 : f32 to vector<16xf32>
    %mul3A_31 = arith.mulf %gather3A_29, %mul3A_30 : vector<16xf32>
    %add3A_32 = arith.addf %add3A, %mul3A_31 : vector<16xf32>
    %gather3A_33 = tpu.vector_load_idx %arg15[%iota3A, %broadcast_in_dim3A_18] : memref<16x16xf32, #tpu.memory_space<vmem>>[vector<16xi32>, vector<16xi32>], vector<16xf32>,
    %mul3A_34 = vector.broadcast %reduce_sum3A_28 : f32 to vector<16xf32>
    %mul3A_35 = arith.mulf %gather3A_33, %mul3A_34 : vector<16xf32>
    %add3A_36 = arith.addf %add3A_16, %mul3A_35 : vector<16xf32>
    %broadcast_in_dim3A_37 = arith.constant 2 : i32
    %broadcast_in_dim3A_38 = vector.broadcast %broadcast_in_dim3A_37 : i32 to vector<16xi32>
    %eq3A_39 = arith.constant 2 : i32
    %eq3A_40 = vector.broadcast %eq3A_39 : i32 to vector<16xi32>
    %eq3A_41 = arith.cmpi eq, %iota3A, %eq3A_40 : vector<16xi32>
    %jit3A_42 = arith.constant 0.000000e+00 : f32
    %broadcast_in_dim3A_43 = vector.broadcast %jit3A_42 : f32 to vector<16xf32>
    %select_n3A_44 = arith.select %eq3A_41, %get3A_0, %broadcast_in_dim3A_43 : vector<16xi1>, vector<16xf32>
    %reduce_sum3A_45 = arith.constant true
    %reduce_sum3A_46 = vector.broadcast %reduce_sum3A_45 : i1 to vector<16xi1>
    %reduce_sum3A_47 = tpu.scan <sum>, %select_n3A_44 masked %reduce_sum3A_46 : vector<16xf32>, vector<16xi1> -> vector<16xf32>
    %reduce_sum3A_48 = vector.extract %reduce_sum3A_47[15] : f32 from vector<16xf32>
    %gather3A_49 = tpu.vector_load_idx %arg14[%iota3A, %broadcast_in_dim3A_38] : memref<16x16xf32, #tpu.memory_space<vmem>>[vector<16xi32>, vector<16xi32>], vector<16xf32>,
    %mul3A_50 = vector.broadcast %reduce_sum3A_48 : f32 to vector<16xf32>
    %mul3A_51 = arith.mulf %gather3A_49, %mul3A_50 : vector<16xf32>
    %add3A_52 = arith.addf %add3A_32, %mul3A_51 : vector<16xf32>
    %gather3A_53 = tpu.vector_load_idx %arg15[%iota3A, %broadcast_in_dim3A_38] : memref<16x16xf32, #tpu.memory_space<vmem>>[vector<16xi32>, vector<16xi32>], vector<16xf32>,
    %mul3A_54 = vector.broadcast %reduce_sum3A_48 : f32 to vector<16xf32>
    %mul3A_55 = arith.mulf %gather3A_53, %mul3A_54 : vector<16xf32>
    %add3A_56 = arith.addf %add3A_36, %mul3A_55 : vector<16xf32>
    %broadcast_in_dim3A_57 = arith.constant 3 : i32
    %broadcast_in_dim3A_58 = vector.broadcast %broadcast_in_dim3A_57 : i32 to vector<16xi32>
    %eq3A_59 = arith.constant 3 : i32
    %eq3A_60 = vector.broadcast %eq3A_59 : i32 to vector<16xi32>
    %eq3A_61 = arith.cmpi eq, %iota3A, %eq3A_60 : vector<16xi32>
    %jit3A_62 = arith.constant 0.000000e+00 : f32
    %broadcast_in_dim3A_63 = vector.broadcast %jit3A_62 : f32 to vector<16xf32>
    %select_n3A_64 = arith.select %eq3A_61, %get3A_0, %broadcast_in_dim3A_63 : vector<16xi1>, vector<16xf32>
    %reduce_sum3A_65 = arith.constant true
    %reduce_sum3A_66 = vector.broadcast %reduce_sum3A_65 : i1 to vector<16xi1>
    %reduce_sum3A_67 = tpu.scan <sum>, %select_n3A_64 masked %reduce_sum3A_66 : vector<16xf32>, vector<16xi1> -> vector<16xf32>
    %reduce_sum3A_68 = vector.extract %reduce_sum3A_67[15] : f32 from vector<16xf32>
    %gather3A_69 = tpu.vector_load_idx %arg14[%iota3A, %broadcast_in_dim3A_58] : memref<16x16xf32, #tpu.memory_space<vmem>>[vector<16xi32>, vector<16xi32>], vector<16xf32>,
    %mul3A_70 = vector.broadcast %reduce_sum3A_68 : f32 to vector<16xf32>
    %mul3A_71 = arith.mulf %gather3A_69, %mul3A_70 : vector<16xf32>
    %add3A_72 = arith.addf %add3A_52, %mul3A_71 : vector<16xf32>
    %gather3A_73 = tpu.vector_load_idx %arg15[%iota3A, %broadcast_in_dim3A_58] : memref<16x16xf32, #tpu.memory_space<vmem>>[vector<16xi32>, vector<16xi32>], vector<16xf32>,
    %mul3A_74 = vector.broadcast %reduce_sum3A_68 : f32 to vector<16xf32>
    %mul3A_75 = arith.mulf %gather3A_73, %mul3A_74 : vector<16xf32>
    %add3A_76 = arith.addf %add3A_56, %mul3A_75 : vector<16xf32>
    %broadcast_in_dim3A_77 = arith.constant 4 : i32
    %broadcast_in_dim3A_78 = vector.broadcast %broadcast_in_dim3A_77 : i32 to vector<16xi32>
    %eq3A_79 = arith.constant 4 : i32
    %eq3A_80 = vector.broadcast %eq3A_79 : i32 to vector<16xi32>
    %eq3A_81 = arith.cmpi eq, %iota3A, %eq3A_80 : vector<16xi32>
    %jit3A_82 = arith.constant 0.000000e+00 : f32
    %broadcast_in_dim3A_83 = vector.broadcast %jit3A_82 : f32 to vector<16xf32>
    %select_n3A_84 = arith.select %eq3A_81, %get3A_0, %broadcast_in_dim3A_83 : vector<16xi1>, vector<16xf32>
    %reduce_sum3A_85 = arith.constant true
    %reduce_sum3A_86 = vector.broadcast %reduce_sum3A_85 : i1 to vector<16xi1>
    %reduce_sum3A_87 = tpu.scan <sum>, %select_n3A_84 masked %reduce_sum3A_86 : vector<16xf32>, vector<16xi1> -> vector<16xf32>
    %reduce_sum3A_88 = vector.extract %reduce_sum3A_87[15] : f32 from vector<16xf32>
    %gather3A_89 = tpu.vector_load_idx %arg14[%iota3A, %broadcast_in_dim3A_78] : memref<16x16xf32, #tpu.memory_space<vmem>>[vector<16xi32>, vector<16xi32>], vector<16xf32>,
    %mul3A_90 = vector.broadcast %reduce_sum3A_88 : f32 to vector<16xf32>
    %mul3A_91 = arith.mulf %gather3A_89, %mul3A_90 : vector<16xf32>
    %add3A_92 = arith.addf %add3A_72, %mul3A_91 : vector<16xf32>
    %gather3A_93 = tpu.vector_load_idx %arg15[%iota3A, %broadcast_in_dim3A_78] : memref<16x16xf32, #tpu.memory_space<vmem>>[vector<16xi32>, vector<16xi32>], vector<16xf32>,
    %mul3A_94 = vector.broadcast %reduce_sum3A_88 : f32 to vector<16xf32>
    %mul3A_95 = arith.mulf %gather3A_93, %mul3A_94 : vector<16xf32>
    %add3A_96 = arith.addf %add3A_76, %mul3A_95 : vector<16xf32>
    %broadcast_in_dim3A_97 = arith.constant 5 : i32
    %broadcast_in_dim3A_98 = vector.broadcast %broadcast_in_dim3A_97 : i32 to vector<16xi32>
    %eq3A_99 = arith.constant 5 : i32
    %eq3A_100 = vector.broadcast %eq3A_99 : i32 to vector<16xi32>
    %eq3A_101 = arith.cmpi eq, %iota3A, %eq3A_100 : vector<16xi32>
    %jit3A_102 = arith.constant 0.000000e+00 : f32
    %broadcast_in_dim3A_103 = vector.broadcast %jit3A_102 : f32 to vector<16xf32>
    %select_n3A_104 = arith.select %eq3A_101, %get3A_0, %broadcast_in_dim3A_103 : vector<16xi1>, vector<16xf32>
    %reduce_sum3A_105 = arith.constant true
    %reduce_sum3A_106 = vector.broadcast %reduce_sum3A_105 : i1 to vector<16xi1>
    %reduce_sum3A_107 = tpu.scan <sum>, %select_n3A_104 masked %reduce_sum3A_106 : vector<16xf32>, vector<16xi1> -> vector<16xf32>
    %reduce_sum3A_108 = vector.extract %reduce_sum3A_107[15] : f32 from vector<16xf32>
    %gather3A_109 = tpu.vector_load_idx %arg14[%iota3A, %broadcast_in_dim3A_98] : memref<16x16xf32, #tpu.memory_space<vmem>>[vector<16xi32>, vector<16xi32>], vector<16xf32>,
    %mul3A_110 = vector.broadcast %reduce_sum3A_108 : f32 to vector<16xf32>
    %mul3A_111 = arith.mulf %gather3A_109, %mul3A_110 : vector<16xf32>
    %add3A_112 = arith.addf %add3A_92, %mul3A_111 : vector<16xf32>
    %gather3A_113 = tpu.vector_load_idx %arg15[%iota3A, %broadcast_in_dim3A_98] : memref<16x16xf32, #tpu.memory_space<vmem>>[vector<16xi32>, vector<16xi32>], vector<16xf32>,
    %mul3A_114 = vector.broadcast %reduce_sum3A_108 : f32 to vector<16xf32>
    %mul3A_115 = arith.mulf %gather3A_113, %mul3A_114 : vector<16xf32>
    %add3A_116 = arith.addf %add3A_96, %mul3A_115 : vector<16xf32>
    %broadcast_in_dim3A_117 = arith.constant 6 : i32
    %broadcast_in_dim3A_118 = vector.broadcast %broadcast_in_dim3A_117 : i32 to vector<16xi32>
    %eq3A_119 = arith.constant 6 : i32
    %eq3A_120 = vector.broadcast %eq3A_119 : i32 to vector<16xi32>
    %eq3A_121 = arith.cmpi eq, %iota3A, %eq3A_120 : vector<16xi32>
    %jit3A_122 = arith.constant 0.000000e+00 : f32
    %broadcast_in_dim3A_123 = vector.broadcast %jit3A_122 : f32 to vector<16xf32>
    %select_n3A_124 = arith.select %eq3A_121, %get3A_0, %broadcast_in_dim3A_123 : vector<16xi1>, vector<16xf32>
    %reduce_sum3A_125 = arith.constant true
    %reduce_sum3A_126 = vector.broadcast %reduce_sum3A_125 : i1 to vector<16xi1>
    %reduce_sum3A_127 = tpu.scan <sum>, %select_n3A_124 masked %reduce_sum3A_126 : vector<16xf32>, vector<16xi1> -> vector<16xf32>
    %reduce_sum3A_128 = vector.extract %reduce_sum3A_127[15] : f32 from vector<16xf32>
    %gather3A_129 = tpu.vector_load_idx %arg14[%iota3A, %broadcast_in_dim3A_118] : memref<16x16xf32, #tpu.memory_space<vmem>>[vector<16xi32>, vector<16xi32>], vector<16xf32>,
    %mul3A_130 = vector.broadcast %reduce_sum3A_128 : f32 to vector<16xf32>
    %mul3A_131 = arith.mulf %gather3A_129, %mul3A_130 : vector<16xf32>
    %add3A_132 = arith.addf %add3A_112, %mul3A_131 : vector<16xf32>
    %gather3A_133 = tpu.vector_load_idx %arg15[%iota3A, %broadcast_in_dim3A_118] : memref<16x16xf32, #tpu.memory_space<vmem>>[vector<16xi32>, vector<16xi32>], vector<16xf32>,
    %mul3A_134 = vector.broadcast %reduce_sum3A_128 : f32 to vector<16xf32>
    %mul3A_135 = arith.mulf %gather3A_133, %mul3A_134 : vector<16xf32>
    %add3A_136 = arith.addf %add3A_116, %mul3A_135 : vector<16xf32>
    %broadcast_in_dim3A_137 = arith.constant 7 : i32
    %broadcast_in_dim3A_138 = vector.broadcast %broadcast_in_dim3A_137 : i32 to vector<16xi32>
    %eq3A_139 = arith.constant 7 : i32
    %eq3A_140 = vector.broadcast %eq3A_139 : i32 to vector<16xi32>
    %eq3A_141 = arith.cmpi eq, %iota3A, %eq3A_140 : vector<16xi32>
    %jit3A_142 = arith.constant 0.000000e+00 : f32
    %broadcast_in_dim3A_143 = vector.broadcast %jit3A_142 : f32 to vector<16xf32>
    %select_n3A_144 = arith.select %eq3A_141, %get3A_0, %broadcast_in_dim3A_143 : vector<16xi1>, vector<16xf32>
    %reduce_sum3A_145 = arith.constant true
    %reduce_sum3A_146 = vector.broadcast %reduce_sum3A_145 : i1 to vector<16xi1>
    %reduce_sum3A_147 = tpu.scan <sum>, %select_n3A_144 masked %reduce_sum3A_146 : vector<16xf32>, vector<16xi1> -> vector<16xf32>
    %reduce_sum3A_148 = vector.extract %reduce_sum3A_147[15] : f32 from vector<16xf32>
    %gather3A_149 = tpu.vector_load_idx %arg14[%iota3A, %broadcast_in_dim3A_138] : memref<16x16xf32, #tpu.memory_space<vmem>>[vector<16xi32>, vector<16xi32>], vector<16xf32>,
    %mul3A_150 = vector.broadcast %reduce_sum3A_148 : f32 to vector<16xf32>
    %mul3A_151 = arith.mulf %gather3A_149, %mul3A_150 : vector<16xf32>
    %add3A_152 = arith.addf %add3A_132, %mul3A_151 : vector<16xf32>
    %gather3A_153 = tpu.vector_load_idx %arg15[%iota3A, %broadcast_in_dim3A_138] : memref<16x16xf32, #tpu.memory_space<vmem>>[vector<16xi32>, vector<16xi32>], vector<16xf32>,
    %mul3A_154 = vector.broadcast %reduce_sum3A_148 : f32 to vector<16xf32>
    %mul3A_155 = arith.mulf %gather3A_153, %mul3A_154 : vector<16xf32>
    %add3A_156 = arith.addf %add3A_136, %mul3A_155 : vector<16xf32>
    %broadcast_in_dim3A_157 = arith.constant 8 : i32
    %broadcast_in_dim3A_158 = vector.broadcast %broadcast_in_dim3A_157 : i32 to vector<16xi32>
    %eq3A_159 = arith.constant 8 : i32
    %eq3A_160 = vector.broadcast %eq3A_159 : i32 to vector<16xi32>
    %eq3A_161 = arith.cmpi eq, %iota3A, %eq3A_160 : vector<16xi32>
    %jit3A_162 = arith.constant 0.000000e+00 : f32
    %broadcast_in_dim3A_163 = vector.broadcast %jit3A_162 : f32 to vector<16xf32>
    %select_n3A_164 = arith.select %eq3A_161, %get3A_0, %broadcast_in_dim3A_163 : vector<16xi1>, vector<16xf32>
    %reduce_sum3A_165 = arith.constant true
    %reduce_sum3A_166 = vector.broadcast %reduce_sum3A_165 : i1 to vector<16xi1>
    %reduce_sum3A_167 = tpu.scan <sum>, %select_n3A_164 masked %reduce_sum3A_166 : vector<16xf32>, vector<16xi1> -> vector<16xf32>
    %reduce_sum3A_168 = vector.extract %reduce_sum3A_167[15] : f32 from vector<16xf32>
    %gather3A_169 = tpu.vector_load_idx %arg14[%iota3A, %broadcast_in_dim3A_158] : memref<16x16xf32, #tpu.memory_space<vmem>>[vector<16xi32>, vector<16xi32>], vector<16xf32>,
    %mul3A_170 = vector.broadcast %reduce_sum3A_168 : f32 to vector<16xf32>
    %mul3A_171 = arith.mulf %gather3A_169, %mul3A_170 : vector<16xf32>
    %add3A_172 = arith.addf %add3A_152, %mul3A_171 : vector<16xf32>
    %gather3A_173 = tpu.vector_load_idx %arg15[%iota3A, %broadcast_in_dim3A_158] : memref<16x16xf32, #tpu.memory_space<vmem>>[vector<16xi32>, vector<16xi32>], vector<16xf32>,
    %mul3A_174 = vector.broadcast %reduce_sum3A_168 : f32 to vector<16xf32>
    %mul3A_175 = arith.mulf %gather3A_173, %mul3A_174 : vector<16xf32>
    %add3A_176 = arith.addf %add3A_156, %mul3A_175 : vector<16xf32>
    %broadcast_in_dim3A_177 = arith.constant 9 : i32
    %broadcast_in_dim3A_178 = vector.broadcast %broadcast_in_dim3A_177 : i32 to vector<16xi32>
    %eq3A_179 = arith.constant 9 : i32
    %eq3A_180 = vector.broadcast %eq3A_179 : i32 to vector<16xi32>
    %eq3A_181 = arith.cmpi eq, %iota3A, %eq3A_180 : vector<16xi32>
    %jit3A_182 = arith.constant 0.000000e+00 : f32
    %broadcast_in_dim3A_183 = vector.broadcast %jit3A_182 : f32 to vector<16xf32>
    %select_n3A_184 = arith.select %eq3A_181, %get3A_0, %broadcast_in_dim3A_183 : vector<16xi1>, vector<16xf32>
    %reduce_sum3A_185 = arith.constant true
    %reduce_sum3A_186 = vector.broadcast %reduce_sum3A_185 : i1 to vector<16xi1>
    %reduce_sum3A_187 = tpu.scan <sum>, %select_n3A_184 masked %reduce_sum3A_186 : vector<16xf32>, vector<16xi1> -> vector<16xf32>
    %reduce_sum3A_188 = vector.extract %reduce_sum3A_187[15] : f32 from vector<16xf32>
    %gather3A_189 = tpu.vector_load_idx %arg14[%iota3A, %broadcast_in_dim3A_178] : memref<16x16xf32, #tpu.memory_space<vmem>>[vector<16xi32>, vector<16xi32>], vector<16xf32>,
    %mul3A_190 = vector.broadcast %reduce_sum3A_188 : f32 to vector<16xf32>
    %mul3A_191 = arith.mulf %gather3A_189, %mul3A_190 : vector<16xf32>
    %add3A_192 = arith.addf %add3A_172, %mul3A_191 : vector<16xf32>
    %gather3A_193 = tpu.vector_load_idx %arg15[%iota3A, %broadcast_in_dim3A_178] : memref<16x16xf32, #tpu.memory_space<vmem>>[vector<16xi32>, vector<16xi32>], vector<16xf32>,
    %mul3A_194 = vector.broadcast %reduce_sum3A_188 : f32 to vector<16xf32>
    %mul3A_195 = arith.mulf %gather3A_193, %mul3A_194 : vector<16xf32>
    %add3A_196 = arith.addf %add3A_176, %mul3A_195 : vector<16xf32>
    %swap3A = arith.constant 0 : index
    %swap3A_197 = tpu.vector_load %arg18[%swap3A] {strides = array<i32>} : memref<16xf32, #tpu.memory_space<vmem>>, vector<16xf32>,
    tpu.vector_store %arg18[%swap3A], %add3A_192 {strides = array<i32>} : memref<16xf32, #tpu.memory_space<vmem>>, vector<16xf32>,
    %swap3A_198 = arith.constant 0 : index
    %swap3A_199 = tpu.vector_load %arg19[%swap3A_198] {strides = array<i32>} : memref<16xf32, #tpu.memory_space<vmem>>, vector<16xf32>,
    tpu.vector_store %arg19[%swap3A_198], %add3A_196 {strides = array<i32>} : memref<16xf32, #tpu.memory_space<vmem>>, vector<16xf32>,
    %mul3A_200 = arith.constant 2 : i32
    %mul3A_201 = arith.muli %arg1, %mul3A_200 : i32
    %add3A_202 = arith.addi %mul3A_201, %arg0 : i32
    %mul3A_203 = arith.constant 512 : i32
    %mul3A_204 = arith.muli %add3A_202, %mul3A_203 : i32
    %add3A_205 = arith.constant 0 : i32
    %add3A_206 = arith.addi %mul3A_204, %add3A_205 : i32
    %dma_start3A = arith.constant 0 : i32
    %dma_start3A_207 = tpu.memref_slice %arg2[%dma_start3A, %add3A_206] : memref<100x16384xi32, #tpu.memory_space<hbm>> -> memref<100x128xi32, #tpu.memory_space<hbm>>
    %dma_start3A_208 = arith.constant 0 : i32
    %dma_start3A_209 = tpu.memref_slice %arg2[%dma_start3A_208, %add3A_206] : memref<100x16384xi32, #tpu.memory_space<hbm>> -> memref<100x128xi32, #tpu.memory_space<hbm>>
    tpu.enqueue_dma source(%dma_start3A_209 : memref<100x128xi32, #tpu.memory_space<hbm>>) target(%arg8 : memref<100x128xi32, #tpu.memory_space<vmem>>) target_semaphore(%arg20 : memref<!tpu.dma_semaphore, #tpu.memory_space<semaphore_mem>>)
    %add3A_210 = arith.constant 0 : i32
    %add3A_211 = arith.addi %mul3A_204, %add3A_210 : i32
    %dma_wait3A = arith.constant 0 : i32
    %dma_wait3A_212 = tpu.memref_slice %arg2[%dma_wait3A, %add3A_211] : memref<100x16384xi32, #tpu.memory_space<hbm>> -> memref<100x128xi32, #tpu.memory_space<hbm>>
    %dma_wait3A_213 = arith.constant 0 : i32
    %dma_wait3A_214 = tpu.memref_slice %arg2[%dma_wait3A_213, %add3A_211] : memref<100x16384xi32, #tpu.memory_space<hbm>> -> memref<100x128xi32, #tpu.memory_space<hbm>>
    tpu.wait_dma2 semaphore(%arg20 : memref<!tpu.dma_semaphore, #tpu.memory_space<semaphore_mem>>) src(%dma_wait3A_214 : memref<100x128xi32, #tpu.memory_space<hbm>>) dst(%arg8 : memref<100x128xi32, #tpu.memory_space<vmem>>)
    %add3A_215 = arith.constant 128 : i32
    %add3A_216 = arith.addi %mul3A_204, %add3A_215 : i32
    %dma_start3A_217 = arith.constant 0 : i32
    %dma_start3A_218 = tpu.memref_slice %arg2[%dma_start3A_217, %add3A_216] : memref<100x16384xi32, #tpu.memory_space<hbm>> -> memref<100x128xi32, #tpu.memory_space<hbm>>
    %dma_start3A_219 = arith.constant 0 : i32
    %dma_start3A_220 = tpu.memref_slice %arg2[%dma_start3A_219, %add3A_216] : memref<100x16384xi32, #tpu.memory_space<hbm>> -> memref<100x128xi32, #tpu.memory_space<hbm>>
    tpu.enqueue_dma source(%dma_start3A_220 : memref<100x128xi32, #tpu.memory_space<hbm>>) target(%arg9 : memref<100x128xi32, #tpu.memory_space<vmem>>) target_semaphore(%arg20 : memref<!tpu.dma_semaphore, #tpu.memory_space<semaphore_mem>>)
    %parallel_loop3A = arith.constant 0 : i32
    %parallel_loop3A_221 = arith.constant 800 : i32
    %parallel_loop3A_222 = arith.constant 1 : i32
    scf.for %parallel_loop3A_374 = %parallel_loop3A to %parallel_loop3A_221 step %parallel_loop3A_222  : i32 {
      %parallel_loop3A_375 = arith.constant 8 : i32
      %parallel_loop3A_376 = arith.divsi %parallel_loop3A_374, %parallel_loop3A_375 : i32
      %parallel_loop3A_377 = arith.constant 0 : i32
      %parallel_loop3A_378 = arith.cmpi sgt, %parallel_loop3A_374, %parallel_loop3A_377 : i32
      %parallel_loop3A_379 = arith.extui %parallel_loop3A_378 : i1 to i32
      %parallel_loop3A_380 = arith.constant 0 : i32
      %parallel_loop3A_381 = arith.cmpi slt, %parallel_loop3A_374, %parallel_loop3A_380 : i32
      %parallel_loop3A_382 = arith.extui %parallel_loop3A_381 : i1 to i32
      %parallel_loop3A_383 = arith.subi %parallel_loop3A_379, %parallel_loop3A_382 : i32
      %parallel_loop3A_384 = arith.constant 0 : i32
      %parallel_loop3A_385 = arith.cmpi sgt, %parallel_loop3A_375, %parallel_loop3A_384 : i32
      %parallel_loop3A_386 = arith.extui %parallel_loop3A_385 : i1 to i32
      %parallel_loop3A_387 = arith.constant 0 : i32
      %parallel_loop3A_388 = arith.cmpi slt, %parallel_loop3A_375, %parallel_loop3A_387 : i32
      %parallel_loop3A_389 = arith.extui %parallel_loop3A_388 : i1 to i32
      %parallel_loop3A_390 = arith.subi %parallel_loop3A_386, %parallel_loop3A_389 : i32
      %parallel_loop3A_391 = arith.cmpi ne, %parallel_loop3A_383, %parallel_loop3A_390 : i32
      %parallel_loop3A_392 = arith.remsi %parallel_loop3A_374, %parallel_loop3A_375 : i32
      %parallel_loop3A_393 = arith.constant 0 : i32
      %parallel_loop3A_394 = arith.cmpi ne, %parallel_loop3A_392, %parallel_loop3A_393 : i32
      %parallel_loop3A_395 = arith.andi %parallel_loop3A_391, %parallel_loop3A_394 : i1
      %parallel_loop3A_396 = arith.constant 1 : i32
      %parallel_loop3A_397 = arith.subi %parallel_loop3A_376, %parallel_loop3A_396 : i32
      %parallel_loop3A_398 = arith.select %parallel_loop3A_395, %parallel_loop3A_397, %parallel_loop3A_376 : i32
      %parallel_loop3A_399 = arith.constant 8 : i32
      %parallel_loop3A_400 = arith.constant 0 : i32
      %parallel_loop3A_401 = arith.cmpi eq, %parallel_loop3A_399, %parallel_loop3A_400 : i32
      %parallel_loop3A_402 = arith.constant 1 : i32
      %parallel_loop3A_403 = arith.select %parallel_loop3A_401, %parallel_loop3A_402, %parallel_loop3A_399 : i32
      %parallel_loop3A_404 = arith.remsi %parallel_loop3A_374, %parallel_loop3A_403 : i32
      %parallel_loop3A_405 = arith.constant 0 : i32
      %parallel_loop3A_406 = arith.cmpi ne, %parallel_loop3A_404, %parallel_loop3A_405 : i32
      %parallel_loop3A_407 = arith.constant 0 : i32
      %parallel_loop3A_408 = arith.cmpi slt, %parallel_loop3A_404, %parallel_loop3A_407 : i32
      %parallel_loop3A_409 = arith.constant 0 : i32
      %parallel_loop3A_410 = arith.cmpi slt, %parallel_loop3A_403, %parallel_loop3A_409 : i32
      %parallel_loop3A_411 = arith.xori %parallel_loop3A_408, %parallel_loop3A_410 : i1
      %parallel_loop3A_412 = arith.andi %parallel_loop3A_411, %parallel_loop3A_406 : i1
      %parallel_loop3A_413 = arith.addi %parallel_loop3A_404, %parallel_loop3A_403 : i32
      %parallel_loop3A_414 = arith.select %parallel_loop3A_412, %parallel_loop3A_413, %parallel_loop3A_404 : i32
      %parallel_loop3A_415 = arith.constant 16 : i32
      %parallel_loop3A_416 = arith.muli %parallel_loop3A_414, %parallel_loop3A_415 : i32
      %parallel_loop3A_417 = arith.index_cast %parallel_loop3A_398 : i32 to index
      %parallel_loop3A_418 = arith.index_cast %parallel_loop3A_416 : i32 to index
      %parallel_loop3A_419 = tpu.vector_load %arg8[%parallel_loop3A_417, %parallel_loop3A_418] {strides = array<i32>} : memref<100x128xi32, #tpu.memory_space<vmem>>, vector<16xi32>,
      %parallel_loop3A_420 = tpu.vector_load_idx %arg18[%parallel_loop3A_419] : memref<16xf32, #tpu.memory_space<vmem>>[vector<16xi32>], vector<16xf32>,
      %parallel_loop3A_421 = arith.index_cast %parallel_loop3A_398 : i32 to index
      %parallel_loop3A_422 = arith.index_cast %parallel_loop3A_416 : i32 to index
      %parallel_loop3A_423 = tpu.vector_load %arg10[%parallel_loop3A_421, %parallel_loop3A_422] {strides = array<i32>} : memref<100x128xf32, #tpu.memory_space<vmem>>, vector<16xf32>,
      tpu.vector_store %arg10[%parallel_loop3A_421, %parallel_loop3A_422], %parallel_loop3A_420 {strides = array<i32>} : memref<100x128xf32, #tpu.memory_space<vmem>>, vector<16xf32>,
      %parallel_loop3A_424 = tpu.vector_load_idx %arg19[%parallel_loop3A_419] : memref<16xf32, #tpu.memory_space<vmem>>[vector<16xi32>], vector<16xf32>,
      %parallel_loop3A_425 = arith.index_cast %parallel_loop3A_398 : i32 to index
      %parallel_loop3A_426 = arith.index_cast %parallel_loop3A_416 : i32 to index
      %parallel_loop3A_427 = tpu.vector_load %arg12[%parallel_loop3A_425, %parallel_loop3A_426] {strides = array<i32>} : memref<100x128xf32, #tpu.memory_space<vmem>>, vector<16xf32>,
      tpu.vector_store %arg12[%parallel_loop3A_425, %parallel_loop3A_426], %parallel_loop3A_424 {strides = array<i32>} : memref<100x128xf32, #tpu.memory_space<vmem>>, vector<16xf32>,
    } {sc.loop_unroll_factor = 8 : i64, sc.parallel_access}
    %add3A_223 = arith.constant 0 : i32
    %add3A_224 = arith.addi %mul3A_204, %add3A_223 : i32
    %add3A_225 = arith.constant 16384 : i32
    %add3A_226 = arith.addi %add3A_225, %mul3A_204 : i32
    %add3A_227 = arith.constant 0 : i32
    %add3A_228 = arith.addi %add3A_226, %add3A_227 : i32
    %dma_start3A_229 = arith.constant 0 : i32
    %dma_start3A_230 = tpu.memref_slice %arg7[%dma_start3A_229, %add3A_224] : memref<100x32768xf32, #tpu.memory_space<hbm>> -> memref<100x128xf32, #tpu.memory_space<hbm>>
    %dma_start3A_231 = arith.constant 0 : i32
    %dma_start3A_232 = tpu.memref_slice %arg7[%dma_start3A_231, %add3A_224] : memref<100x32768xf32, #tpu.memory_space<hbm>> -> memref<100x128xf32, #tpu.memory_space<hbm>>
    tpu.enqueue_dma source(%arg10 : memref<100x128xf32, #tpu.memory_space<vmem>>) target(%dma_start3A_232 : memref<100x128xf32, #tpu.memory_space<hbm>>) target_semaphore(%arg21 : memref<!tpu.dma_semaphore, #tpu.memory_space<semaphore_mem>>)
    %dma_start3A_233 = arith.constant 0 : i32
    %dma_start3A_234 = tpu.memref_slice %arg7[%dma_start3A_233, %add3A_228] : memref<100x32768xf32, #tpu.memory_space<hbm>> -> memref<100x128xf32, #tpu.memory_space<hbm>>
    %dma_start3A_235 = arith.constant 0 : i32
    %dma_start3A_236 = tpu.memref_slice %arg7[%dma_start3A_235, %add3A_228] : memref<100x32768xf32, #tpu.memory_space<hbm>> -> memref<100x128xf32, #tpu.memory_space<hbm>>
    tpu.enqueue_dma source(%arg12 : memref<100x128xf32, #tpu.memory_space<vmem>>) target(%dma_start3A_236 : memref<100x128xf32, #tpu.memory_space<hbm>>) target_semaphore(%arg21 : memref<!tpu.dma_semaphore, #tpu.memory_space<semaphore_mem>>)
    %add3A_237 = arith.constant 128 : i32
    %add3A_238 = arith.addi %mul3A_204, %add3A_237 : i32
    %dma_wait3A_239 = arith.constant 0 : i32
    %dma_wait3A_240 = tpu.memref_slice %arg2[%dma_wait3A_239, %add3A_238] : memref<100x16384xi32, #tpu.memory_space<hbm>> -> memref<100x128xi32, #tpu.memory_space<hbm>>
    %dma_wait3A_241 = arith.constant 0 : i32
    %dma_wait3A_242 = tpu.memref_slice %arg2[%dma_wait3A_241, %add3A_238] : memref<100x16384xi32, #tpu.memory_space<hbm>> -> memref<100x128xi32, #tpu.memory_space<hbm>>
    tpu.wait_dma2 semaphore(%arg20 : memref<!tpu.dma_semaphore, #tpu.memory_space<semaphore_mem>>) src(%dma_wait3A_242 : memref<100x128xi32, #tpu.memory_space<hbm>>) dst(%arg9 : memref<100x128xi32, #tpu.memory_space<vmem>>)
    %add3A_243 = arith.constant 256 : i32
    %add3A_244 = arith.addi %mul3A_204, %add3A_243 : i32
    %dma_start3A_245 = arith.constant 0 : i32
    %dma_start3A_246 = tpu.memref_slice %arg2[%dma_start3A_245, %add3A_244] : memref<100x16384xi32, #tpu.memory_space<hbm>> -> memref<100x128xi32, #tpu.memory_space<hbm>>
    %dma_start3A_247 = arith.constant 0 : i32
    %dma_start3A_248 = tpu.memref_slice %arg2[%dma_start3A_247, %add3A_244] : memref<100x16384xi32, #tpu.memory_space<hbm>> -> memref<100x128xi32, #tpu.memory_space<hbm>>
    tpu.enqueue_dma source(%dma_start3A_248 : memref<100x128xi32, #tpu.memory_space<hbm>>) target(%arg8 : memref<100x128xi32, #tpu.memory_space<vmem>>) target_semaphore(%arg20 : memref<!tpu.dma_semaphore, #tpu.memory_space<semaphore_mem>>)
    %parallel_loop3A_249 = arith.constant 0 : i32
    %parallel_loop3A_250 = arith.constant 800 : i32
    %parallel_loop3A_251 = arith.constant 1 : i32
    scf.for %parallel_loop3A_374 = %parallel_loop3A_249 to %parallel_loop3A_250 step %parallel_loop3A_251  : i32 {
      %parallel_loop3A_375 = arith.constant 8 : i32
      %parallel_loop3A_376 = arith.divsi %parallel_loop3A_374, %parallel_loop3A_375 : i32
      %parallel_loop3A_377 = arith.constant 0 : i32
      %parallel_loop3A_378 = arith.cmpi sgt, %parallel_loop3A_374, %parallel_loop3A_377 : i32
      %parallel_loop3A_379 = arith.extui %parallel_loop3A_378 : i1 to i32
      %parallel_loop3A_380 = arith.constant 0 : i32
      %parallel_loop3A_381 = arith.cmpi slt, %parallel_loop3A_374, %parallel_loop3A_380 : i32
      %parallel_loop3A_382 = arith.extui %parallel_loop3A_381 : i1 to i32
      %parallel_loop3A_383 = arith.subi %parallel_loop3A_379, %parallel_loop3A_382 : i32
      %parallel_loop3A_384 = arith.constant 0 : i32
      %parallel_loop3A_385 = arith.cmpi sgt, %parallel_loop3A_375, %parallel_loop3A_384 : i32
      %parallel_loop3A_386 = arith.extui %parallel_loop3A_385 : i1 to i32
      %parallel_loop3A_387 = arith.constant 0 : i32
      %parallel_loop3A_388 = arith.cmpi slt, %parallel_loop3A_375, %parallel_loop3A_387 : i32
      %parallel_loop3A_389 = arith.extui %parallel_loop3A_388 : i1 to i32
      %parallel_loop3A_390 = arith.subi %parallel_loop3A_386, %parallel_loop3A_389 : i32
      %parallel_loop3A_391 = arith.cmpi ne, %parallel_loop3A_383, %parallel_loop3A_390 : i32
      %parallel_loop3A_392 = arith.remsi %parallel_loop3A_374, %parallel_loop3A_375 : i32
      %parallel_loop3A_393 = arith.constant 0 : i32
      %parallel_loop3A_394 = arith.cmpi ne, %parallel_loop3A_392, %parallel_loop3A_393 : i32
      %parallel_loop3A_395 = arith.andi %parallel_loop3A_391, %parallel_loop3A_394 : i1
      %parallel_loop3A_396 = arith.constant 1 : i32
      %parallel_loop3A_397 = arith.subi %parallel_loop3A_376, %parallel_loop3A_396 : i32
      %parallel_loop3A_398 = arith.select %parallel_loop3A_395, %parallel_loop3A_397, %parallel_loop3A_376 : i32
      %parallel_loop3A_399 = arith.constant 8 : i32
      %parallel_loop3A_400 = arith.constant 0 : i32
      %parallel_loop3A_401 = arith.cmpi eq, %parallel_loop3A_399, %parallel_loop3A_400 : i32
      %parallel_loop3A_402 = arith.constant 1 : i32
      %parallel_loop3A_403 = arith.select %parallel_loop3A_401, %parallel_loop3A_402, %parallel_loop3A_399 : i32
      %parallel_loop3A_404 = arith.remsi %parallel_loop3A_374, %parallel_loop3A_403 : i32
      %parallel_loop3A_405 = arith.constant 0 : i32
      %parallel_loop3A_406 = arith.cmpi ne, %parallel_loop3A_404, %parallel_loop3A_405 : i32
      %parallel_loop3A_407 = arith.constant 0 : i32
      %parallel_loop3A_408 = arith.cmpi slt, %parallel_loop3A_404, %parallel_loop3A_407 : i32
      %parallel_loop3A_409 = arith.constant 0 : i32
      %parallel_loop3A_410 = arith.cmpi slt, %parallel_loop3A_403, %parallel_loop3A_409 : i32
      %parallel_loop3A_411 = arith.xori %parallel_loop3A_408, %parallel_loop3A_410 : i1
      %parallel_loop3A_412 = arith.andi %parallel_loop3A_411, %parallel_loop3A_406 : i1
      %parallel_loop3A_413 = arith.addi %parallel_loop3A_404, %parallel_loop3A_403 : i32
      %parallel_loop3A_414 = arith.select %parallel_loop3A_412, %parallel_loop3A_413, %parallel_loop3A_404 : i32
      %parallel_loop3A_415 = arith.constant 16 : i32
      %parallel_loop3A_416 = arith.muli %parallel_loop3A_414, %parallel_loop3A_415 : i32
      %parallel_loop3A_417 = arith.index_cast %parallel_loop3A_398 : i32 to index
      %parallel_loop3A_418 = arith.index_cast %parallel_loop3A_416 : i32 to index
      %parallel_loop3A_419 = tpu.vector_load %arg9[%parallel_loop3A_417, %parallel_loop3A_418] {strides = array<i32>} : memref<100x128xi32, #tpu.memory_space<vmem>>, vector<16xi32>,
      %parallel_loop3A_420 = tpu.vector_load_idx %arg18[%parallel_loop3A_419] : memref<16xf32, #tpu.memory_space<vmem>>[vector<16xi32>], vector<16xf32>,
      %parallel_loop3A_421 = arith.index_cast %parallel_loop3A_398 : i32 to index
      %parallel_loop3A_422 = arith.index_cast %parallel_loop3A_416 : i32 to index
      %parallel_loop3A_423 = tpu.vector_load %arg11[%parallel_loop3A_421, %parallel_loop3A_422] {strides = array<i32>} : memref<100x128xf32, #tpu.memory_space<vmem>>, vector<16xf32>,
      tpu.vector_store %arg11[%parallel_loop3A_421, %parallel_loop3A_422], %parallel_loop3A_420 {strides = array<i32>} : memref<100x128xf32, #tpu.memory_space<vmem>>, vector<16xf32>,
      %parallel_loop3A_424 = tpu.vector_load_idx %arg19[%parallel_loop3A_419] : memref<16xf32, #tpu.memory_space<vmem>>[vector<16xi32>], vector<16xf32>,
      %parallel_loop3A_425 = arith.index_cast %parallel_loop3A_398 : i32 to index
      %parallel_loop3A_426 = arith.index_cast %parallel_loop3A_416 : i32 to index
      %parallel_loop3A_427 = tpu.vector_load %arg13[%parallel_loop3A_425, %parallel_loop3A_426] {strides = array<i32>} : memref<100x128xf32, #tpu.memory_space<vmem>>, vector<16xf32>,
      tpu.vector_store %arg13[%parallel_loop3A_425, %parallel_loop3A_426], %parallel_loop3A_424 {strides = array<i32>} : memref<100x128xf32, #tpu.memory_space<vmem>>, vector<16xf32>,
    } {sc.loop_unroll_factor = 8 : i64, sc.parallel_access}
    %add3A_252 = arith.constant 128 : i32
    %add3A_253 = arith.addi %mul3A_204, %add3A_252 : i32
    %add3A_254 = arith.constant 16384 : i32
    %add3A_255 = arith.addi %add3A_254, %mul3A_204 : i32
    %add3A_256 = arith.constant 128 : i32
    %add3A_257 = arith.addi %add3A_255, %add3A_256 : i32
    %dma_start3A_258 = arith.constant 0 : i32
    %dma_start3A_259 = tpu.memref_slice %arg7[%dma_start3A_258, %add3A_253] : memref<100x32768xf32, #tpu.memory_space<hbm>> -> memref<100x128xf32, #tpu.memory_space<hbm>>
    %dma_start3A_260 = arith.constant 0 : i32
    %dma_start3A_261 = tpu.memref_slice %arg7[%dma_start3A_260, %add3A_253] : memref<100x32768xf32, #tpu.memory_space<hbm>> -> memref<100x128xf32, #tpu.memory_space<hbm>>
    tpu.enqueue_dma source(%arg11 : memref<100x128xf32, #tpu.memory_space<vmem>>) target(%dma_start3A_261 : memref<100x128xf32, #tpu.memory_space<hbm>>) target_semaphore(%arg21 : memref<!tpu.dma_semaphore, #tpu.memory_space<semaphore_mem>>)
    %dma_start3A_262 = arith.constant 0 : i32
    %dma_start3A_263 = tpu.memref_slice %arg7[%dma_start3A_262, %add3A_257] : memref<100x32768xf32, #tpu.memory_space<hbm>> -> memref<100x128xf32, #tpu.memory_space<hbm>>
    %dma_start3A_264 = arith.constant 0 : i32
    %dma_start3A_265 = tpu.memref_slice %arg7[%dma_start3A_264, %add3A_257] : memref<100x32768xf32, #tpu.memory_space<hbm>> -> memref<100x128xf32, #tpu.memory_space<hbm>>
    tpu.enqueue_dma source(%arg13 : memref<100x128xf32, #tpu.memory_space<vmem>>) target(%dma_start3A_265 : memref<100x128xf32, #tpu.memory_space<hbm>>) target_semaphore(%arg21 : memref<!tpu.dma_semaphore, #tpu.memory_space<semaphore_mem>>)
    %add3A_266 = arith.constant 256 : i32
    %add3A_267 = arith.addi %mul3A_204, %add3A_266 : i32
    %dma_wait3A_268 = arith.constant 0 : i32
    %dma_wait3A_269 = tpu.memref_slice %arg2[%dma_wait3A_268, %add3A_267] : memref<100x16384xi32, #tpu.memory_space<hbm>> -> memref<100x128xi32, #tpu.memory_space<hbm>>
    %dma_wait3A_270 = arith.constant 0 : i32
    %dma_wait3A_271 = tpu.memref_slice %arg2[%dma_wait3A_270, %add3A_267] : memref<100x16384xi32, #tpu.memory_space<hbm>> -> memref<100x128xi32, #tpu.memory_space<hbm>>
    tpu.wait_dma2 semaphore(%arg20 : memref<!tpu.dma_semaphore, #tpu.memory_space<semaphore_mem>>) src(%dma_wait3A_271 : memref<100x128xi32, #tpu.memory_space<hbm>>) dst(%arg8 : memref<100x128xi32, #tpu.memory_space<vmem>>)
    %add3A_272 = arith.constant 384 : i32
    %add3A_273 = arith.addi %mul3A_204, %add3A_272 : i32
    %dma_start3A_274 = arith.constant 0 : i32
    %dma_start3A_275 = tpu.memref_slice %arg2[%dma_start3A_274, %add3A_273] : memref<100x16384xi32, #tpu.memory_space<hbm>> -> memref<100x128xi32, #tpu.memory_space<hbm>>
    %dma_start3A_276 = arith.constant 0 : i32
    %dma_start3A_277 = tpu.memref_slice %arg2[%dma_start3A_276, %add3A_273] : memref<100x16384xi32, #tpu.memory_space<hbm>> -> memref<100x128xi32, #tpu.memory_space<hbm>>
    tpu.enqueue_dma source(%dma_start3A_277 : memref<100x128xi32, #tpu.memory_space<hbm>>) target(%arg9 : memref<100x128xi32, #tpu.memory_space<vmem>>) target_semaphore(%arg20 : memref<!tpu.dma_semaphore, #tpu.memory_space<semaphore_mem>>)
    %add3A_278 = arith.constant 0 : i32
    %add3A_279 = arith.addi %mul3A_204, %add3A_278 : i32
    %add3A_280 = arith.constant 16384 : i32
    %add3A_281 = arith.addi %add3A_280, %mul3A_204 : i32
    %add3A_282 = arith.constant 0 : i32
    %add3A_283 = arith.addi %add3A_281, %add3A_282 : i32
    %dma_wait3A_284 = arith.constant 0 : i32
    %dma_wait3A_285 = tpu.memref_slice %arg7[%dma_wait3A_284, %add3A_279] : memref<100x32768xf32, #tpu.memory_space<hbm>> -> memref<100x128xf32, #tpu.memory_space<hbm>>
    %dma_wait3A_286 = arith.constant 0 : i32
    %dma_wait3A_287 = tpu.memref_slice %arg7[%dma_wait3A_286, %add3A_279] : memref<100x32768xf32, #tpu.memory_space<hbm>> -> memref<100x128xf32, #tpu.memory_space<hbm>>
    tpu.wait_dma2 semaphore(%arg21 : memref<!tpu.dma_semaphore, #tpu.memory_space<semaphore_mem>>) src(%arg10 : memref<100x128xf32, #tpu.memory_space<vmem>>) dst(%dma_wait3A_287 : memref<100x128xf32, #tpu.memory_space<hbm>>)
    %dma_wait3A_288 = arith.constant 0 : i32
    %dma_wait3A_289 = tpu.memref_slice %arg7[%dma_wait3A_288, %add3A_283] : memref<100x32768xf32, #tpu.memory_space<hbm>> -> memref<100x128xf32, #tpu.memory_space<hbm>>
    %dma_wait3A_290 = arith.constant 0 : i32
    %dma_wait3A_291 = tpu.memref_slice %arg7[%dma_wait3A_290, %add3A_283] : memref<100x32768xf32, #tpu.memory_space<hbm>> -> memref<100x128xf32, #tpu.memory_space<hbm>>
    tpu.wait_dma2 semaphore(%arg21 : memref<!tpu.dma_semaphore, #tpu.memory_space<semaphore_mem>>) src(%arg12 : memref<100x128xf32, #tpu.memory_space<vmem>>) dst(%dma_wait3A_291 : memref<100x128xf32, #tpu.memory_space<hbm>>)
    %parallel_loop3A_292 = arith.constant 0 : i32
    %parallel_loop3A_293 = arith.constant 800 : i32
    %parallel_loop3A_294 = arith.constant 1 : i32
    scf.for %parallel_loop3A_374 = %parallel_loop3A_292 to %parallel_loop3A_293 step %parallel_loop3A_294  : i32 {
      %parallel_loop3A_375 = arith.constant 8 : i32
      %parallel_loop3A_376 = arith.divsi %parallel_loop3A_374, %parallel_loop3A_375 : i32
      %parallel_loop3A_377 = arith.constant 0 : i32
      %parallel_loop3A_378 = arith.cmpi sgt, %parallel_loop3A_374, %parallel_loop3A_377 : i32
      %parallel_loop3A_379 = arith.extui %parallel_loop3A_378 : i1 to i32
      %parallel_loop3A_380 = arith.constant 0 : i32
      %parallel_loop3A_381 = arith.cmpi slt, %parallel_loop3A_374, %parallel_loop3A_380 : i32
      %parallel_loop3A_382 = arith.extui %parallel_loop3A_381 : i1 to i32
      %parallel_loop3A_383 = arith.subi %parallel_loop3A_379, %parallel_loop3A_382 : i32
      %parallel_loop3A_384 = arith.constant 0 : i32
      %parallel_loop3A_385 = arith.cmpi sgt, %parallel_loop3A_375, %parallel_loop3A_384 : i32
      %parallel_loop3A_386 = arith.extui %parallel_loop3A_385 : i1 to i32
      %parallel_loop3A_387 = arith.constant 0 : i32
      %parallel_loop3A_388 = arith.cmpi slt, %parallel_loop3A_375, %parallel_loop3A_387 : i32
      %parallel_loop3A_389 = arith.extui %parallel_loop3A_388 : i1 to i32
      %parallel_loop3A_390 = arith.subi %parallel_loop3A_386, %parallel_loop3A_389 : i32
      %parallel_loop3A_391 = arith.cmpi ne, %parallel_loop3A_383, %parallel_loop3A_390 : i32
      %parallel_loop3A_392 = arith.remsi %parallel_loop3A_374, %parallel_loop3A_375 : i32
      %parallel_loop3A_393 = arith.constant 0 : i32
      %parallel_loop3A_394 = arith.cmpi ne, %parallel_loop3A_392, %parallel_loop3A_393 : i32
      %parallel_loop3A_395 = arith.andi %parallel_loop3A_391, %parallel_loop3A_394 : i1
      %parallel_loop3A_396 = arith.constant 1 : i32
      %parallel_loop3A_397 = arith.subi %parallel_loop3A_376, %parallel_loop3A_396 : i32
      %parallel_loop3A_398 = arith.select %parallel_loop3A_395, %parallel_loop3A_397, %parallel_loop3A_376 : i32
      %parallel_loop3A_399 = arith.constant 8 : i32
      %parallel_loop3A_400 = arith.constant 0 : i32
      %parallel_loop3A_401 = arith.cmpi eq, %parallel_loop3A_399, %parallel_loop3A_400 : i32
      %parallel_loop3A_402 = arith.constant 1 : i32
      %parallel_loop3A_403 = arith.select %parallel_loop3A_401, %parallel_loop3A_402, %parallel_loop3A_399 : i32
      %parallel_loop3A_404 = arith.remsi %parallel_loop3A_374, %parallel_loop3A_403 : i32
      %parallel_loop3A_405 = arith.constant 0 : i32
      %parallel_loop3A_406 = arith.cmpi ne, %parallel_loop3A_404, %parallel_loop3A_405 : i32
      %parallel_loop3A_407 = arith.constant 0 : i32
      %parallel_loop3A_408 = arith.cmpi slt, %parallel_loop3A_404, %parallel_loop3A_407 : i32
      %parallel_loop3A_409 = arith.constant 0 : i32
      %parallel_loop3A_410 = arith.cmpi slt, %parallel_loop3A_403, %parallel_loop3A_409 : i32
      %parallel_loop3A_411 = arith.xori %parallel_loop3A_408, %parallel_loop3A_410 : i1
      %parallel_loop3A_412 = arith.andi %parallel_loop3A_411, %parallel_loop3A_406 : i1
      %parallel_loop3A_413 = arith.addi %parallel_loop3A_404, %parallel_loop3A_403 : i32
      %parallel_loop3A_414 = arith.select %parallel_loop3A_412, %parallel_loop3A_413, %parallel_loop3A_404 : i32
      %parallel_loop3A_415 = arith.constant 16 : i32
      %parallel_loop3A_416 = arith.muli %parallel_loop3A_414, %parallel_loop3A_415 : i32
      %parallel_loop3A_417 = arith.index_cast %parallel_loop3A_398 : i32 to index
      %parallel_loop3A_418 = arith.index_cast %parallel_loop3A_416 : i32 to index
      %parallel_loop3A_419 = tpu.vector_load %arg8[%parallel_loop3A_417, %parallel_loop3A_418] {strides = array<i32>} : memref<100x128xi32, #tpu.memory_space<vmem>>, vector<16xi32>,
      %parallel_loop3A_420 = tpu.vector_load_idx %arg18[%parallel_loop3A_419] : memref<16xf32, #tpu.memory_space<vmem>>[vector<16xi32>], vector<16xf32>,
      %parallel_loop3A_421 = arith.index_cast %parallel_loop3A_398 : i32 to index
      %parallel_loop3A_422 = arith.index_cast %parallel_loop3A_416 : i32 to index
      %parallel_loop3A_423 = tpu.vector_load %arg10[%parallel_loop3A_421, %parallel_loop3A_422] {strides = array<i32>} : memref<100x128xf32, #tpu.memory_space<vmem>>, vector<16xf32>,
      tpu.vector_store %arg10[%parallel_loop3A_421, %parallel_loop3A_422], %parallel_loop3A_420 {strides = array<i32>} : memref<100x128xf32, #tpu.memory_space<vmem>>, vector<16xf32>,
      %parallel_loop3A_424 = tpu.vector_load_idx %arg19[%parallel_loop3A_419] : memref<16xf32, #tpu.memory_space<vmem>>[vector<16xi32>], vector<16xf32>,
      %parallel_loop3A_425 = arith.index_cast %parallel_loop3A_398 : i32 to index
      %parallel_loop3A_426 = arith.index_cast %parallel_loop3A_416 : i32 to index
      %parallel_loop3A_427 = tpu.vector_load %arg12[%parallel_loop3A_425, %parallel_loop3A_426] {strides = array<i32>} : memref<100x128xf32, #tpu.memory_space<vmem>>, vector<16xf32>,
      tpu.vector_store %arg12[%parallel_loop3A_425, %parallel_loop3A_426], %parallel_loop3A_424 {strides = array<i32>} : memref<100x128xf32, #tpu.memory_space<vmem>>, vector<16xf32>,
    } {sc.loop_unroll_factor = 8 : i64, sc.parallel_access}
    %add3A_295 = arith.constant 256 : i32
    %add3A_296 = arith.addi %mul3A_204, %add3A_295 : i32
    %add3A_297 = arith.constant 16384 : i32
    %add3A_298 = arith.addi %add3A_297, %mul3A_204 : i32
    %add3A_299 = arith.constant 256 : i32
    %add3A_300 = arith.addi %add3A_298, %add3A_299 : i32
    %dma_start3A_301 = arith.constant 0 : i32
    %dma_start3A_302 = tpu.memref_slice %arg7[%dma_start3A_301, %add3A_296] : memref<100x32768xf32, #tpu.memory_space<hbm>> -> memref<100x128xf32, #tpu.memory_space<hbm>>
    %dma_start3A_303 = arith.constant 0 : i32
    %dma_start3A_304 = tpu.memref_slice %arg7[%dma_start3A_303, %add3A_296] : memref<100x32768xf32, #tpu.memory_space<hbm>> -> memref<100x128xf32, #tpu.memory_space<hbm>>
    tpu.enqueue_dma source(%arg10 : memref<100x128xf32, #tpu.memory_space<vmem>>) target(%dma_start3A_304 : memref<100x128xf32, #tpu.memory_space<hbm>>) target_semaphore(%arg21 : memref<!tpu.dma_semaphore, #tpu.memory_space<semaphore_mem>>)
    %dma_start3A_305 = arith.constant 0 : i32
    %dma_start3A_306 = tpu.memref_slice %arg7[%dma_start3A_305, %add3A_300] : memref<100x32768xf32, #tpu.memory_space<hbm>> -> memref<100x128xf32, #tpu.memory_space<hbm>>
    %dma_start3A_307 = arith.constant 0 : i32
    %dma_start3A_308 = tpu.memref_slice %arg7[%dma_start3A_307, %add3A_300] : memref<100x32768xf32, #tpu.memory_space<hbm>> -> memref<100x128xf32, #tpu.memory_space<hbm>>
    tpu.enqueue_dma source(%arg12 : memref<100x128xf32, #tpu.memory_space<vmem>>) target(%dma_start3A_308 : memref<100x128xf32, #tpu.memory_space<hbm>>) target_semaphore(%arg21 : memref<!tpu.dma_semaphore, #tpu.memory_space<semaphore_mem>>)
    %add3A_309 = arith.constant 384 : i32
    %add3A_310 = arith.addi %mul3A_204, %add3A_309 : i32
    %dma_wait3A_311 = arith.constant 0 : i32
    %dma_wait3A_312 = tpu.memref_slice %arg2[%dma_wait3A_311, %add3A_310] : memref<100x16384xi32, #tpu.memory_space<hbm>> -> memref<100x128xi32, #tpu.memory_space<hbm>>
    %dma_wait3A_313 = arith.constant 0 : i32
    %dma_wait3A_314 = tpu.memref_slice %arg2[%dma_wait3A_313, %add3A_310] : memref<100x16384xi32, #tpu.memory_space<hbm>> -> memref<100x128xi32, #tpu.memory_space<hbm>>
    tpu.wait_dma2 semaphore(%arg20 : memref<!tpu.dma_semaphore, #tpu.memory_space<semaphore_mem>>) src(%dma_wait3A_314 : memref<100x128xi32, #tpu.memory_space<hbm>>) dst(%arg9 : memref<100x128xi32, #tpu.memory_space<vmem>>)
    %add3A_315 = arith.constant 128 : i32
    %add3A_316 = arith.addi %mul3A_204, %add3A_315 : i32
    %add3A_317 = arith.constant 16384 : i32
    %add3A_318 = arith.addi %add3A_317, %mul3A_204 : i32
    %add3A_319 = arith.constant 128 : i32
    %add3A_320 = arith.addi %add3A_318, %add3A_319 : i32
    %dma_wait3A_321 = arith.constant 0 : i32
    %dma_wait3A_322 = tpu.memref_slice %arg7[%dma_wait3A_321, %add3A_316] : memref<100x32768xf32, #tpu.memory_space<hbm>> -> memref<100x128xf32, #tpu.memory_space<hbm>>
    %dma_wait3A_323 = arith.constant 0 : i32
    %dma_wait3A_324 = tpu.memref_slice %arg7[%dma_wait3A_323, %add3A_316] : memref<100x32768xf32, #tpu.memory_space<hbm>> -> memref<100x128xf32, #tpu.memory_space<hbm>>
    tpu.wait_dma2 semaphore(%arg21 : memref<!tpu.dma_semaphore, #tpu.memory_space<semaphore_mem>>) src(%arg11 : memref<100x128xf32, #tpu.memory_space<vmem>>) dst(%dma_wait3A_324 : memref<100x128xf32, #tpu.memory_space<hbm>>)
    %dma_wait3A_325 = arith.constant 0 : i32
    %dma_wait3A_326 = tpu.memref_slice %arg7[%dma_wait3A_325, %add3A_320] : memref<100x32768xf32, #tpu.memory_space<hbm>> -> memref<100x128xf32, #tpu.memory_space<hbm>>
    %dma_wait3A_327 = arith.constant 0 : i32
    %dma_wait3A_328 = tpu.memref_slice %arg7[%dma_wait3A_327, %add3A_320] : memref<100x32768xf32, #tpu.memory_space<hbm>> -> memref<100x128xf32, #tpu.memory_space<hbm>>
    tpu.wait_dma2 semaphore(%arg21 : memref<!tpu.dma_semaphore, #tpu.memory_space<semaphore_mem>>) src(%arg13 : memref<100x128xf32, #tpu.memory_space<vmem>>) dst(%dma_wait3A_328 : memref<100x128xf32, #tpu.memory_space<hbm>>)
    %parallel_loop3A_329 = arith.constant 0 : i32
    %parallel_loop3A_330 = arith.constant 800 : i32
    %parallel_loop3A_331 = arith.constant 1 : i32
    scf.for %parallel_loop3A_374 = %parallel_loop3A_329 to %parallel_loop3A_330 step %parallel_loop3A_331  : i32 {
      %parallel_loop3A_375 = arith.constant 8 : i32
      %parallel_loop3A_376 = arith.divsi %parallel_loop3A_374, %parallel_loop3A_375 : i32
      %parallel_loop3A_377 = arith.constant 0 : i32
      %parallel_loop3A_378 = arith.cmpi sgt, %parallel_loop3A_374, %parallel_loop3A_377 : i32
      %parallel_loop3A_379 = arith.extui %parallel_loop3A_378 : i1 to i32
      %parallel_loop3A_380 = arith.constant 0 : i32
      %parallel_loop3A_381 = arith.cmpi slt, %parallel_loop3A_374, %parallel_loop3A_380 : i32
      %parallel_loop3A_382 = arith.extui %parallel_loop3A_381 : i1 to i32
      %parallel_loop3A_383 = arith.subi %parallel_loop3A_379, %parallel_loop3A_382 : i32
      %parallel_loop3A_384 = arith.constant 0 : i32
      %parallel_loop3A_385 = arith.cmpi sgt, %parallel_loop3A_375, %parallel_loop3A_384 : i32
      %parallel_loop3A_386 = arith.extui %parallel_loop3A_385 : i1 to i32
      %parallel_loop3A_387 = arith.constant 0 : i32
      %parallel_loop3A_388 = arith.cmpi slt, %parallel_loop3A_375, %parallel_loop3A_387 : i32
      %parallel_loop3A_389 = arith.extui %parallel_loop3A_388 : i1 to i32
      %parallel_loop3A_390 = arith.subi %parallel_loop3A_386, %parallel_loop3A_389 : i32
      %parallel_loop3A_391 = arith.cmpi ne, %parallel_loop3A_383, %parallel_loop3A_390 : i32
      %parallel_loop3A_392 = arith.remsi %parallel_loop3A_374, %parallel_loop3A_375 : i32
      %parallel_loop3A_393 = arith.constant 0 : i32
      %parallel_loop3A_394 = arith.cmpi ne, %parallel_loop3A_392, %parallel_loop3A_393 : i32
      %parallel_loop3A_395 = arith.andi %parallel_loop3A_391, %parallel_loop3A_394 : i1
      %parallel_loop3A_396 = arith.constant 1 : i32
      %parallel_loop3A_397 = arith.subi %parallel_loop3A_376, %parallel_loop3A_396 : i32
      %parallel_loop3A_398 = arith.select %parallel_loop3A_395, %parallel_loop3A_397, %parallel_loop3A_376 : i32
      %parallel_loop3A_399 = arith.constant 8 : i32
      %parallel_loop3A_400 = arith.constant 0 : i32
      %parallel_loop3A_401 = arith.cmpi eq, %parallel_loop3A_399, %parallel_loop3A_400 : i32
      %parallel_loop3A_402 = arith.constant 1 : i32
      %parallel_loop3A_403 = arith.select %parallel_loop3A_401, %parallel_loop3A_402, %parallel_loop3A_399 : i32
      %parallel_loop3A_404 = arith.remsi %parallel_loop3A_374, %parallel_loop3A_403 : i32
      %parallel_loop3A_405 = arith.constant 0 : i32
      %parallel_loop3A_406 = arith.cmpi ne, %parallel_loop3A_404, %parallel_loop3A_405 : i32
      %parallel_loop3A_407 = arith.constant 0 : i32
      %parallel_loop3A_408 = arith.cmpi slt, %parallel_loop3A_404, %parallel_loop3A_407 : i32
      %parallel_loop3A_409 = arith.constant 0 : i32
      %parallel_loop3A_410 = arith.cmpi slt, %parallel_loop3A_403, %parallel_loop3A_409 : i32
      %parallel_loop3A_411 = arith.xori %parallel_loop3A_408, %parallel_loop3A_410 : i1
      %parallel_loop3A_412 = arith.andi %parallel_loop3A_411, %parallel_loop3A_406 : i1
      %parallel_loop3A_413 = arith.addi %parallel_loop3A_404, %parallel_loop3A_403 : i32
      %parallel_loop3A_414 = arith.select %parallel_loop3A_412, %parallel_loop3A_413, %parallel_loop3A_404 : i32
      %parallel_loop3A_415 = arith.constant 16 : i32
      %parallel_loop3A_416 = arith.muli %parallel_loop3A_414, %parallel_loop3A_415 : i32
      %parallel_loop3A_417 = arith.index_cast %parallel_loop3A_398 : i32 to index
      %parallel_loop3A_418 = arith.index_cast %parallel_loop3A_416 : i32 to index
      %parallel_loop3A_419 = tpu.vector_load %arg9[%parallel_loop3A_417, %parallel_loop3A_418] {strides = array<i32>} : memref<100x128xi32, #tpu.memory_space<vmem>>, vector<16xi32>,
      %parallel_loop3A_420 = tpu.vector_load_idx %arg18[%parallel_loop3A_419] : memref<16xf32, #tpu.memory_space<vmem>>[vector<16xi32>], vector<16xf32>,
      %parallel_loop3A_421 = arith.index_cast %parallel_loop3A_398 : i32 to index
      %parallel_loop3A_422 = arith.index_cast %parallel_loop3A_416 : i32 to index
      %parallel_loop3A_423 = tpu.vector_load %arg11[%parallel_loop3A_421, %parallel_loop3A_422] {strides = array<i32>} : memref<100x128xf32, #tpu.memory_space<vmem>>, vector<16xf32>,
      tpu.vector_store %arg11[%parallel_loop3A_421, %parallel_loop3A_422], %parallel_loop3A_420 {strides = array<i32>} : memref<100x128xf32, #tpu.memory_space<vmem>>, vector<16xf32>,
      %parallel_loop3A_424 = tpu.vector_load_idx %arg19[%parallel_loop3A_419] : memref<16xf32, #tpu.memory_space<vmem>>[vector<16xi32>], vector<16xf32>,
      %parallel_loop3A_425 = arith.index_cast %parallel_loop3A_398 : i32 to index
      %parallel_loop3A_426 = arith.index_cast %parallel_loop3A_416 : i32 to index
      %parallel_loop3A_427 = tpu.vector_load %arg13[%parallel_loop3A_425, %parallel_loop3A_426] {strides = array<i32>} : memref<100x128xf32, #tpu.memory_space<vmem>>, vector<16xf32>,
      tpu.vector_store %arg13[%parallel_loop3A_425, %parallel_loop3A_426], %parallel_loop3A_424 {strides = array<i32>} : memref<100x128xf32, #tpu.memory_space<vmem>>, vector<16xf32>,
    } {sc.loop_unroll_factor = 8 : i64, sc.parallel_access}
    %add3A_332 = arith.constant 384 : i32
    %add3A_333 = arith.addi %mul3A_204, %add3A_332 : i32
    %add3A_334 = arith.constant 16384 : i32
    %add3A_335 = arith.addi %add3A_334, %mul3A_204 : i32
    %add3A_336 = arith.constant 384 : i32
    %add3A_337 = arith.addi %add3A_335, %add3A_336 : i32
    %dma_start3A_338 = arith.constant 0 : i32
    %dma_start3A_339 = tpu.memref_slice %arg7[%dma_start3A_338, %add3A_333] : memref<100x32768xf32, #tpu.memory_space<hbm>> -> memref<100x128xf32, #tpu.memory_space<hbm>>
    %dma_start3A_340 = arith.constant 0 : i32
    %dma_start3A_341 = tpu.memref_slice %arg7[%dma_start3A_340, %add3A_333] : memref<100x32768xf32, #tpu.memory_space<hbm>> -> memref<100x128xf32, #tpu.memory_space<hbm>>
    tpu.enqueue_dma source(%arg11 : memref<100x128xf32, #tpu.memory_space<vmem>>) target(%dma_start3A_341 : memref<100x128xf32, #tpu.memory_space<hbm>>) target_semaphore(%arg21 : memref<!tpu.dma_semaphore, #tpu.memory_space<semaphore_mem>>)
    %dma_start3A_342 = arith.constant 0 : i32
    %dma_start3A_343 = tpu.memref_slice %arg7[%dma_start3A_342, %add3A_337] : memref<100x32768xf32, #tpu.memory_space<hbm>> -> memref<100x128xf32, #tpu.memory_space<hbm>>
    %dma_start3A_344 = arith.constant 0 : i32
    %dma_start3A_345 = tpu.memref_slice %arg7[%dma_start3A_344, %add3A_337] : memref<100x32768xf32, #tpu.memory_space<hbm>> -> memref<100x128xf32, #tpu.memory_space<hbm>>
    tpu.enqueue_dma source(%arg13 : memref<100x128xf32, #tpu.memory_space<vmem>>) target(%dma_start3A_345 : memref<100x128xf32, #tpu.memory_space<hbm>>) target_semaphore(%arg21 : memref<!tpu.dma_semaphore, #tpu.memory_space<semaphore_mem>>)
    %add3A_346 = arith.constant 256 : i32
    %add3A_347 = arith.addi %mul3A_204, %add3A_346 : i32
    %add3A_348 = arith.constant 16384 : i32
    %add3A_349 = arith.addi %add3A_348, %mul3A_204 : i32
    %add3A_350 = arith.constant 256 : i32
    %add3A_351 = arith.addi %add3A_349, %add3A_350 : i32
    %dma_wait3A_352 = arith.constant 0 : i32
    %dma_wait3A_353 = tpu.memref_slice %arg7[%dma_wait3A_352, %add3A_347] : memref<100x32768xf32, #tpu.memory_space<hbm>> -> memref<100x128xf32, #tpu.memory_space<hbm>>
    %dma_wait3A_354 = arith.constant 0 : i32
    %dma_wait3A_355 = tpu.memref_slice %arg7[%dma_wait3A_354, %add3A_347] : memref<100x32768xf32, #tpu.memory_space<hbm>> -> memref<100x128xf32, #tpu.memory_space<hbm>>
    tpu.wait_dma2 semaphore(%arg21 : memref<!tpu.dma_semaphore, #tpu.memory_space<semaphore_mem>>) src(%arg10 : memref<100x128xf32, #tpu.memory_space<vmem>>) dst(%dma_wait3A_355 : memref<100x128xf32, #tpu.memory_space<hbm>>)
    %dma_wait3A_356 = arith.constant 0 : i32
    %dma_wait3A_357 = tpu.memref_slice %arg7[%dma_wait3A_356, %add3A_351] : memref<100x32768xf32, #tpu.memory_space<hbm>> -> memref<100x128xf32, #tpu.memory_space<hbm>>
    %dma_wait3A_358 = arith.constant 0 : i32
    %dma_wait3A_359 = tpu.memref_slice %arg7[%dma_wait3A_358, %add3A_351] : memref<100x32768xf32, #tpu.memory_space<hbm>> -> memref<100x128xf32, #tpu.memory_space<hbm>>
    tpu.wait_dma2 semaphore(%arg21 : memref<!tpu.dma_semaphore, #tpu.memory_space<semaphore_mem>>) src(%arg12 : memref<100x128xf32, #tpu.memory_space<vmem>>) dst(%dma_wait3A_359 : memref<100x128xf32, #tpu.memory_space<hbm>>)
    %add3A_360 = arith.constant 384 : i32
    %add3A_361 = arith.addi %mul3A_204, %add3A_360 : i32
    %add3A_362 = arith.constant 16384 : i32
    %add3A_363 = arith.addi %add3A_362, %mul3A_204 : i32
    %add3A_364 = arith.constant 384 : i32
    %add3A_365 = arith.addi %add3A_363, %add3A_364 : i32
    %dma_wait3A_366 = arith.constant 0 : i32
    %dma_wait3A_367 = tpu.memref_slice %arg7[%dma_wait3A_366, %add3A_361] : memref<100x32768xf32, #tpu.memory_space<hbm>> -> memref<100x128xf32, #tpu.memory_space<hbm>>
    %dma_wait3A_368 = arith.constant 0 : i32
    %dma_wait3A_369 = tpu.memref_slice %arg7[%dma_wait3A_368, %add3A_361] : memref<100x32768xf32, #tpu.memory_space<hbm>> -> memref<100x128xf32, #tpu.memory_space<hbm>>
    tpu.wait_dma2 semaphore(%arg21 : memref<!tpu.dma_semaphore, #tpu.memory_space<semaphore_mem>>) src(%arg11 : memref<100x128xf32, #tpu.memory_space<vmem>>) dst(%dma_wait3A_369 : memref<100x128xf32, #tpu.memory_space<hbm>>)
    %dma_wait3A_370 = arith.constant 0 : i32
    %dma_wait3A_371 = tpu.memref_slice %arg7[%dma_wait3A_370, %add3A_365] : memref<100x32768xf32, #tpu.memory_space<hbm>> -> memref<100x128xf32, #tpu.memory_space<hbm>>
    %dma_wait3A_372 = arith.constant 0 : i32
    %dma_wait3A_373 = tpu.memref_slice %arg7[%dma_wait3A_372, %add3A_365] : memref<100x32768xf32, #tpu.memory_space<hbm>> -> memref<100x128xf32, #tpu.memory_space<hbm>>
    tpu.wait_dma2 semaphore(%arg21 : memref<!tpu.dma_semaphore, #tpu.memory_space<semaphore_mem>>) src(%arg13 : memref<100x128xf32, #tpu.memory_space<vmem>>) dst(%dma_wait3A_373 : memref<100x128xf32, #tpu.memory_space<hbm>>)
    return
  }
}

</mosaic_0001>

<sc_bundles>
// kernel: kernel.3.cloned.1.call-start
scs
__scs_entry_jumppad:
0x0: {  	(pc) =	sbr.rel $0x88, $3  }
0x1: {  	(tag) =	ssettag $0x0;
	lr =	simm.s32 $0x1  }
0x2: {  	[smem:$0x3F9C] =	sst lr;
	_ =	strace $0xD0000000  }
0x3: {  	_ = 	snop  }
0x4: {  	_ = 	snop  }
0x5: {  	_ = 	snop  }
0x6: {  	_ = 	snop  }
0x7: {  	_ = 	snop  }
__scs_overlays_trampoline_lowered:
0x8: {  	[smem:$0x3FAB] =	sst s0  }
0x9: {  	[smem:$0x3FAC] =	sst s1  }
0xa: {  	[smem:$0x3FAD] =	sst s2  }
0xb: {  	[smem:$0x3FAE] =	sst s3  }
0xc: {  	[smem:$0x3FAF] =	sst s4  }
0xd: {  	[smem:$0x3FB0] =	sst s5  }
0xe: {  	[smem:$0x3FB1] =	sst s6  }
0xf: {  	[smem:$0x3FB2] =	sst s7  }
0x10: {  	[smem:$0x3FB3] =	sst s8  }
0x11: {  	[smem:$0x3FB4] =	sst s9;
	s0 =	simm.s32 @!p0 $0x0  }
0x12: {  	s1 =	sld [smem:$0x3F9A];
	s0 =	simm.s32 @p0 $0x1  }
0x13: {  	[smem:$0x3FB5] =	sst s0;
	s0 =	simm.s32 @!p1 $0x0  }
0x14: {  	s2 =	sld [smem:$0x3F99];
	s0 =	simm.s32 @p1 $0x1  }
0x15: {  	[smem:$0x3FB6] =	sst s0;
	s0 =	simm.s32 @!p2 $0x0  }
0x16: {  	s3 =	sld [smem:$0x3FDB];
	s0 =	simm.s32 @p2 $0x1  }
0x17: {  	s4 =	simm.s32 $0x1BF5;
	[smem:$0x3FB8] =	sst s0  }
0x18: {  	s0 =	sld [smem:$0x3F9B];
	_ =	swait.ge [sflag:s4], $0x0  }
0x19: {  	s7 =	sld [smem:$0x3F9C]  }
0x1a: {  	s8 =	sadd.s32 $0xFFFFE003, lr  }
0x1b: {  	s9 =	sadd.s32 $0xFFFFFEF7, lr;
	s5 =	simm.s32 $0xFFFFFFFF;
	p2 =	slt.u32 s8, $0xFFFFF086  }
0x1c: {  	p1 =	slt.u32 s9, $0xF7A;
	s5 =	simm.s32 @!p2 $0x0  }
0x1d: {  	s5 =	simm.s32 @p1 $0x1;
	p0 =	seq.s32 s7, s2  }
0x1e: {  	s7 =	smul.u32 @!p0 $0xF7A, s2;
	p2 =	seq.s32 @!p0 s5, $0x0  }
0x1f: {  	s9 =	smul.u32 $0xF7A, s1;
	s8 =	simm.s32 @!p0 $0x1BF5;
	p2 =	por !p2, p0  }
0x20: {  	[sflag:s8] =	ssyncset.s32 @!p0 $0xFFFFF086;
	s6 =	sadd.s32 @!p0 s3, s7;
	s7 =	simm.s32 @!p0 $0x108  }
0x21: {  	s3 =	sadd.s32 s3, s9;
	s6 =	sadd.s32 @!p0 $0x88, s6;
	s7 =	simm.s32 @p2 $0x1082  }
0x22: {  	[simem:s7], [sflag:s8] =	dma.local @!p0 [hbm:s6], $0xF7A  }
0x23: {  	s9 =	sor.u32 $0xD0000000, s2;
	s6 =	simm.s32 $0x108;
	_ =	swait.ge @!p0 [sflag:s8], $0x0  }
0x24: {  	s3 =	sadd.s32 $0x88, s3;
	s6 =	simm.s32 @!p1 $0x1082;
	[sflag:s4] =	ssyncset.s32 $0xFFFFF086  }
0x25: {  	[simem:s6], [sflag:s4] =	dma.local [hbm:s3], $0xF7A  }
0x26: {  	[smem:$0x3F9C] =	sst s1;
	(tag) =	ssettag s2;
	_ =	strace s9  }
0x27: {  	s1 =	sld [smem:$0x3FAC]  }
0x28: {  	s2 =	sld [smem:$0x3FAD]  }
0x29: {  	s4 =	sld [smem:$0x3FAF]  }
0x2a: {  	p0 =	seq.s32 s5, $0x0;
	s5 =	sld [smem:$0x3FB0]  }
0x2b: {  	s6 =	sld [smem:$0x3FB1]  }
0x2c: {  	s7 =	sld [smem:$0x3FB2]  }
0x2d: {  	s3 =	simm.s32 $0x108;
	s8 =	sld [smem:$0x3FB3]  }
0x2e: {  	s3 =	simm.s32 @!p0 $0x1082;
	s9 =	sld [smem:$0x3FB4]  }
0x2f: {  	lr =	sadd.s32 s0, s3;
	s0 =	sld [smem:$0x3FAB]  }
0x30: {  	s3 =	sld [smem:$0x3FAE]  }
0x31: {  	[smem:$0x3FB7] =	sst s10  }
0x32: {  	s10 =	sld [smem:$0x3FB5];
	_ =	sdelay $0x3  }
0x33: {  	p0 =	seq.s32 s10, $0x1;
	s10 =	sld [smem:$0x3FB7];
	_ =	sdelay $0x3  }
0x34: {  	[smem:$0x3FB7] =	sst s10  }
0x35: {  	s10 =	sld [smem:$0x3FB6];
	_ =	sdelay $0x3  }
0x36: {  	p1 =	seq.s32 s10, $0x1;
	s10 =	sld [smem:$0x3FB7];
	_ =	sdelay $0x3  }
0x37: {  	[smem:$0x3FB7] =	sst s10  }
0x38: {  	s10 =	sld [smem:$0x3FB8]  }
0x39: {  	_ = 	snop;
	(pc) =	sbr.ind lr, $3  }
0x3a: {  	_ = 	snop  }
0x3b: {  	_ = 	snop  }
0x3c: {  	p2 =	seq.s32 s10, $0x1;
	s10 =	sld [smem:$0x3FB7]  }
0x3d: {  	_ =	shalt  }
0x3e: {  	_ =	shalt  }
0x3f: {  	_ =	shalt  }
0x40: {  	_ =	shalt  }
0x41: {  	_ =	shalt  }
0x42: {  	_ =	shalt  }
0x43: {  	_ =	shalt  }
0x44: {  	_ =	shalt  }
0x45: {  	_ =	shalt  }
0x46: {  	_ =	shalt  }
0x47: {  	_ =	shalt  }
0x48: {  	_ =	shalt  }
0x49: {  	_ =	shalt  }
0x4a: {  	_ =	shalt  }
0x4b: {  	_ =	shalt  }
0x4c: {  	_ =	shalt  }
0x4d: {  	_ =	shalt  }
0x4e: {  	_ =	shalt  }
0x4f: {  	_ =	shalt  }
0x50: {  	_ =	shalt  }
0x51: {  	_ =	shalt  }
0x52: {  	_ =	shalt  }
0x53: {  	_ =	shalt  }
0x54: {  	_ =	shalt  }
0x55: {  	_ =	shalt  }
0x56: {  	_ =	shalt  }
0x57: {  	_ =	shalt  }
0x58: {  	_ =	shalt  }
0x59: {  	_ =	shalt  }
0x5a: {  	_ =	shalt  }
0x5b: {  	_ =	shalt  }
0x5c: {  	_ =	shalt  }
0x5d: {  	_ =	shalt  }
0x5e: {  	_ =	shalt  }
0x5f: {  	_ =	shalt  }
0x60: {  	_ =	shalt  }
0x61: {  	_ =	shalt  }
0x62: {  	_ =	shalt  }
0x63: {  	_ =	shalt  }
0x64: {  	_ =	shalt  }
0x65: {  	_ =	shalt  }
0x66: {  	_ =	shalt  }
0x67: {  	_ =	shalt  }
0x68: {  	_ =	shalt  }
0x69: {  	_ =	shalt  }
0x6a: {  	_ =	shalt  }
0x6b: {  	_ =	shalt  }
0x6c: {  	_ =	shalt  }
0x6d: {  	_ =	shalt  }
0x6e: {  	_ =	shalt  }
0x6f: {  	_ =	shalt  }
0x70: {  	_ =	shalt  }
0x71: {  	_ =	shalt  }
0x72: {  	_ =	shalt  }
0x73: {  	_ =	shalt  }
0x74: {  	_ =	shalt  }
0x75: {  	_ =	shalt  }
0x76: {  	_ =	shalt  }
0x77: {  	_ =	shalt  }
0x78: {  	_ =	shalt  }
0x79: {  	_ =	shalt  }
0x7a: {  	_ =	shalt  }
0x7b: {  	_ =	shalt  }
0x7c: {  	_ =	shalt  }
0x7d: {  	_ =	shalt  }
0x7e: {  	_ =	shalt  }
0x7f: {  	_ =	shalt  }
0x80: {  	_ =	shalt  }
0x81: {  	_ =	shalt  }
0x82: {  	_ =	shalt  }
0x83: {  	_ =	shalt  }
0x84: {  	_ =	shalt  }
0x85: {  	_ =	shalt  }
0x86: {  	_ =	shalt  }
0x87: {  	_ =	shalt  }
.Lfunc_end0:
.L_simem_size_0:
called_computation_lowered:
.L_overlay_start_0:
0x88: {  	s2 =	sld [smem:$0x3FD9]  }
0x89: {  	s3 =	sld [smem:$0x3FFE];
	_ =	sdelay $0x1  }
0x8a: {  	s1 =	srdreg.scid  }
0x8b: {  	s0 =	sand.u32 $0x1, s1  }
0x8c: {  	s17 =	sshll.u32 s0, $0xA;
	s2 =	sadd.s32 s3, s2  }
0x8d: {  	s2 =	sadd.s32 s2, s17  }
0x8e: {  	[smem:$0x3FC3] =	sst s2  }
0x8f: {  	_ = 	snop  }
0x90: {  	s2 =	sld [smem:$0x3FC9]  }
0x91: {  	s18 =	sld [smem:$0x3FD0];
	(tm) =	ssettm $0x1  }
0x92: {  	s4 =	sld [smem:$0x3FFB];
	_ =	sdelay $0x3  }
0x93: {  	_ =	strace s4  }
0x94: {  	s4 =	sld [smem:$0x3FFC];
	_ =	sdelay $0x3  }
0x95: {  	_ =	strace s4  }
0x96: {  	s4 =	sld [smem:$0x3FFD];
	_ =	sdelay $0x3  }
0x97: {  	_ =	strace s4  }
0x98: {  	_ =	strace $0x8FFFFFFF  }
0x99: {  	s19 =	sld [smem:$0x3FDB];
	_ =	sdelay $0x1  }
0x9a: {  	s5 =	simm.s32 $_scs_section_size  }
0x9b: {  	s6 =	simm.s32 $_size__tile_overlayer_lowered;
	s7 =	simm.s32 $_tile_overlayer_lowered  }
0x9c: {  	s22 =	simm.s32 $0x1BFF;
	s21 =	sshll.u32 s7, $0x1;
	s4 =	sadd.s32 s5, s19  }
0x9d: {  	s8 =	simm.s32 $0x0;
	s20 =	sshll.u32 s6, $0x1;
	s6 =	sadd.s32 s21, s4  }
0x9e: {  	[timem:s8], [sflag:s22] =	dma.local [hbm:s6], s20  }
0x9f: {  	_ =	swait.ge [sflag:s22], s20  }
0xa0: {  	s5 =	ssub.s32 $0x0, s20;
	[sflag:s22] =	ssyncset.done $0x0  }
0xa1: {  	[sflag:s22] =	ssyncadd.s32 s5;
	_ =	sdelay $0x1  }
0xa2: {  	s23 =	simm.s32 $0x1B8B  }
0xa3: {  	_ =	swait.ge [sflag:s23], $0x1  }
0xa4: {  	[sflag:s23] =	ssyncset.done $0x0  }
0xa5: {  	s25 =	simm.s32 $0x1B8E;
	s24 =	sld [smem:$0x3FFE];
	[sflag:s23] =	ssyncadd.s32 $0xFFFFFFFF  }
0xa6: {  	s26 =	simm.s32 $execute0_lowered;
	[smem:$0x3FD2] =	sst s25  }
0xa7: {  	s6 =	sshll.u32 s26, $0x1;
	_ =	strace $0x80000046;
	[dreg:$0x1] =	wrdreg $0xFFFFFFFF  }
0xa8: {  	s28 =	simm.s32 $_size_execute0_lowered;
	s4 =	sadd.s32 s4, s6;
	[dreg:$0x0] =	wrdreg $0x0  }
0xa9: {  	s6 =	sshll.u32 s28, $0x1;
	[dreg:$0x2] =	wrdreg s4  }
0xaa: {  	[dreg:$0x3] =	wrdreg s6  }
0xab: {  	[dreg:$0x4] =	wrdreg $0xC0  }
0xac: {  	_ =	task [dreg:s8], $0x5FFFF  }
0xad: {  	[dreg:$0x1] =	wrdreg $0xFFFFFFFF  }
0xae: {  	[dreg:$0x0] =	wrdreg $0x60  }
0xaf: {  	[dreg:$0x2] =	wrdreg s2  }
0xb0: {  	[dreg:$0x3] =	wrdreg s18  }
0xb1: {  	[dreg:$0x4] =	wrdreg s24  }
0xb2: {  	[dreg:$0x5] =	wrdreg $0x9  }
0xb3: {  	_ =	task.clear_ibuf [dreg:s8], $0x6FFFF;
	_ =	strace $0x90000046  }
0xb4: {  	s29 =	simm.s32 $0x9;
	_ =	strace $0x80000048  }
0xb5: {  	_ =	swait.ge [sflag:s29], $0x1  }
0xb6: {  	[sflag:s29] =	ssyncadd.s32 $0xFFFFFFFF  }
0xb7: {  	_ =	strace $0x90000048  }
0xb8: {  	_ =	sfence  }
0xb9: {  	s30 =	sld [smem:$0x0];
	_ =	sdelay $0x2  }
0xba: {  	s31 =	sshll.u32 s1, $0xD;
	s1 =	sshrl.u32 s1, $0x2  }
0xbb: {  	s3 =	sand.u32 $0x4000, s31;
	s1 =	sadd.s32 s1, s30  }
0xbc: {  	s0 =	sor.u32 s3, s0;
	s1 =	sshll.u32 s1, $0x11  }
0xbd: {  	s0 =	sor.u32 s1, s0  }
0xbe: {  	s0 =	sadd.s32 $0x8F2B, s0  }
0xbf: {  	[sflag:s0] =	ssyncadd.remote.s32 $0x1  }
0xc0: {  	_ =	sfence.sel $0xFFFF  }
0xc1: {  	[dreg:$0x0] =	wrdreg $0xFFFFFFFF;
	(pc) =	sbr.abs _section_cstart, $3  }
0xc2: {  	[dreg:$0x1] =	wrdreg $0xFFFFFFFF  }
0xc3: {  	_ =	task.clear_ibuf [dreg:s8], $0x2FFFF;
	_ =	strace $0x9FFFFFFF  }
0xc4: {  	(tm) =	ssettm $0x7FFFFFFF  }
0xc5: {  	_ =	shalt  }
tec
execute0_lowered:
.L_overlay_start_1:
0x0: {  	(tag) =	ssettag $0x1  }
0x1: {  	s0 =	rddreg [dreg:$0x0]  }
0x2: {  	s1 =	rddreg [dreg:$0x2];
	s2 =	simm.s32 $0x0;
	s22 =	srdreg.scid  }
0x3: {  	s5 =	stileid.u32;
	s20 =	simm.s32 $0x13800;
	s21 =	simm.s32 $0x3  }
0x4: {  	s29 =	simm.s32 $0x1;
	s19 =	simm.s32 $0xCC00;
	s28 =	simm.s32 $0x10400  }
0x5: {  	s30 =	simm.s32 $0x13400;
	s31 =	simm.s32 $0x2;
	[smem:$0x7FF] =	sst s2  }
0x6: {  	s3 =	sadd.s32 $0x800, s1;
	s4 =	sadd.s32 $0x600, s1;
	s5 =	sshll.u32 s5, $0xA  }
0x7: {  	s6 =	sadd.s32 $0xA00, s1;
	_ =	strace $0x80000047;
	[dreg:$0x4] =	wrdreg s3  }
0x8: {  	s1 =	sadd.s32 $0xC00, s1;
	[dreg:$0x5] =	wrdreg s4;
	s3 =	sand.u32 $0x1, s22  }
0x9: {  	[dreg:$0x6] =	wrdreg s6;
	s23 =	ssub.s32 $0x2, s3;
	s3 =	sshll.u32 s3, $0x9  }
0xa: {  	s22 =	simm.s32 $0x14000;
	s24 =	sshrl.u32 s23, $0x1;
	s3 =	sor.u32 s3, s5  }
0xb: {  	s4 =	ssub.s32 s23, s24;
	s7 =	sadd.s32 s0, s3;
	s5 =	sor.u32 $0x80, s3  }
0xc: {  	v0 =	vlaneseq.u32;
	vm0 =	vmmov $0x1;
	vm1 =	vcmask $0x308;
	s8 =	sadd.s32 s1, s3;
	s25 =	sor.u32 $0x100, s3;
	s3 =	sor.u32 $0x180, s3  }
0xd: {  	vm2 =	vcmask $0x70C;
	vm3 =	vcmask $0xB10;
	vm4 =	vcmask $0xF14;
	s23 =	simm.s32 $0x0;
	s9 =	sadd.s32 s0, s5;
	s10 =	sadd.s32 $0x4000, s8  }
0xe: {  	vm5 =	vcmask $0x1318;
	vm6 =	vcmask $0x171C;
	v0 =	vmul.u32 $0x80, v0;
	s11 =	sadd.s32 s0, s25;
	s12 =	sadd.s32 s1, s5;
	s13 =	sadd.s32 $0x4080, s8  }
0xf: {  	vm7 =	vcmask $0x1B20;
	vm8 =	vcmask $0x1F24;
	vm9 =	vcmask $0x2328;
	s14 =	sadd.s32 s0, s3;
	s15 =	sadd.s32 s1, s25;
	s16 =	sadd.s32 $0x4100, s8  }
0x10: {  	v1 =	vor.u32 $0x1, v0;
	v2 =	vor.u32 $0x2, v0;
	v3 =	vor.u32 $0x3, v0;
	s17 =	sadd.s32 s1, s3;
	s18 =	sadd.s32 $0x4180, s8;
	s26 =	smax.u32 s4, $0x1  }
0x11: {  	v4 =	vor.u32 $0x4, v0;
	v5 =	vor.u32 $0x5, v0;
	v6 =	vor.u32 $0x6, v0;
	s25 =	simm.s32 $0x400;
	s0 =	simm.s32 $0x14900;
	s3 =	simm.s32 $0x14980  }
0x12: {  	v7 =	vor.u32 $0x7, v0;
	v8 =	vor.u32 $0x8, v0;
	v9 =	vor.u32 $0x9, v0;
	s1 =	simm.s32 $0x40000;
	[dreg:$0x7] =	wrdreg s26;
	s26 =	simm.s32 $0x20000  }
.LBB2_1:
0x13: {  	s4 =	rddreg [dreg:$0x1]  }
0x14: {  	[tilespmem:s20], [sflag:$0x3] =	stream.linear.gather [hbm4b:s4+s2], $0x800, $0x38;
	[tilespmem:$0x14A00] =	vst v63  }
0x15: {  	_ =	swait.ge [sflag:s21], $0x800  }
0x16: {  	[sflag:s21] =	ssyncset.done $0x0  }
0x17: {  	s6 =	rddreg [dreg:$0x4];
	[sflag:s21] =	ssyncadd.s32 $0xFFFFF800  }
0x18: {  	[tilespmem:s22], [sflag:$0x3] =	stream.linear.gather [hbm4b:s6+s2], $0x800, $0x38;
	[tilespmem:$0x14A00] =	vst v63  }
0x19: {  	_ =	swait.ge [sflag:s21], $0x800  }
0x1a: {  	[sflag:s21] =	ssyncset.done $0x0  }
0x1b: {  	s5 =	simm.s32 $0x14800;
	s24 =	rddreg [dreg:$0x5];
	[sflag:s21] =	ssyncadd.s32 $0xFFFFF800  }
0x1c: {  	[tilespmem:s5], [sflag:$0x3] =	stream.linear.gather [hbm4b:s24+s2], $0x80, $0x38;
	[tilespmem:$0x14A00] =	vst v63  }
0x1d: {  	_ =	swait.ge [sflag:s21], $0x80  }
0x1e: {  	[sflag:s21] =	ssyncset.done $0x0  }
0x1f: {  	s24 =	simm.s32 $0x14880;
	s6 =	rddreg [dreg:$0x6];
	[sflag:s21] =	ssyncadd.s32 $0xFFFFFF80  }
0x20: {  	[tilespmem:s24], [sflag:$0x3] =	stream.linear.gather [hbm4b:s6+s2], $0x80, $0x38;
	[tilespmem:$0x14A00] =	vst v63  }
0x21: {  	_ =	swait.ge [sflag:s21], $0x80  }
0x22: {  	[sflag:s21] =	ssyncset.done $0x0  }
0x23: {  	[sflag:s21] =	ssyncadd.s32 $0xFFFFFF80  }
0x24: {  	v10 =	vld [tilespmem:$0x14800];
	_ =	sdelay $0x4  }
0x25: {  	v11 =	vnsel vm0, $0x0, v10  }
0x26: {  	(xrf2) =	vadd.scan.msk.f32 $0xffff, v11  }
0x27: {  	v11 =	vsel vm1, $0x0, v10  }
0x28: {  	(xrf2) =	vadd.scan.msk.f32 $0xffff, v11;
	_ =	sdelay $0x1  }
0x29: {  	v11 =	vsel vm2, $0x0, v10  }
0x2a: {  	(xrf2) =	vadd.scan.msk.f32 $0xffff, v11  }
0x2b: {  	v11 =	vsel vm3, $0x0, v10  }
0x2c: {  	v12 =	vld [tilespmem:$0x14880];
	v13 =	vsel vm4, $0x0, v10;
	(xrf2) =	vadd.scan.msk.f32 $0xffff, v11  }
0x2d: {  	v11 =	vld.idx.msk [tilespmem:v0+s20+$0x0], $0xffff  }
0x2e: {  	v14 =	vld.idx.msk [tilespmem:v0+s22+$0x0], $0xffff;
	v16 =	vsel vm5, $0x0, v10;
	(xrf2) =	vadd.scan.msk.f32 $0xffff, v13  }
0x2f: {  	v15 =	vld.idx.msk [tilespmem:v1+s20+$0x0], $0xffff;
	v13, _, _ =	vpop (xrf2)  }
0x30: {  	(xrf2) =	vadd.scan.msk.f32 $0xffff, v16;
	v13 =	vbroadcast v13, $0xF  }
0x31: {  	v17 =	vld.idx.msk [tilespmem:v1+s22+$0x0], $0xffff;
	v18 =	vsel vm6, $0x0, v10;
	v16, _, _ =	vpop (xrf2)  }
0x32: {  	v19 =	vld.idx.msk [tilespmem:v2+s20+$0x0], $0xffff;
	(xrf2) =	vadd.scan.msk.f32 $0xffff, v18;
	v16 =	vbroadcast v16, $0xF;
	v11 =	vmul.f32 v13, v11  }
0x33: {  	v45 =	vsel vm7, $0x0, v10;
	v13 =	vmul.f32 v13, v14;
	v14 =	vld.idx.msk [tilespmem:v2+s22+$0x0], $0xffff  }
0x34: {  	v21 =	vld.idx.msk [tilespmem:v3+s20+$0x0], $0xffff;
	v20, _, _ =	vpop (xrf2);
	(xrf2) =	vadd.scan.msk.f32 $0xffff, v45;
	v15 =	vmul.f32 v16, v15;
	v11 =	vadd.f32 v11, v12  }
0x35: {  	v46 =	vld.idx.msk [tilespmem:v3+s22+$0x0], $0xffff;
	v12 =	vadd.f32 v13, v12;
	v13 =	vbroadcast v20, $0xF  }
0x36: {  	v47 =	vsel vm8, $0x0, v10;
	v11 =	vadd.f32 v11, v15;
	v15 =	vmul.f32 v17, v16;
	v16, _, _ =	vpop (xrf2);
	v17 =	vld.idx.msk [tilespmem:v4+s20+$0x0], $0xffff  }
0x37: {  	v48 =	vld.idx.msk [tilespmem:v4+s22+$0x0], $0xffff;
	(xrf2) =	vadd.scan.msk.f32 $0xffff, v47;
	v19 =	vmul.f32 v19, v13;
	v16 =	vbroadcast v16, $0xF  }
0x38: {  	v10 =	vsel vm9, $0x0, v10;
	v13 =	vmul.f32 v14, v13;
	v14, _, _ =	vpop (xrf2);
	v12 =	vadd.f32 v15, v12;
	v15 =	vld.idx.msk [tilespmem:v5+s20+$0x0], $0xffff  }
0x39: {  	v49 =	vld.idx.msk [tilespmem:v5+s22+$0x0], $0xffff;
	(xrf2) =	vadd.scan.msk.f32 $0xffff, v10;
	v10 =	vadd.f32 v19, v11;
	v14 =	vbroadcast v14, $0xF;
	v11 =	vmul.f32 v21, v16  }
0x3a: {  	v50, _, _ =	vpop (xrf2);
	v12 =	vadd.f32 v13, v12;
	v13 =	vmul.f32 v46, v16;
	v16 =	vld.idx.msk [tilespmem:v6+s20+$0x0], $0xffff  }
0x3b: {  	v10 =	vadd.f32 v11, v10;
	v11 =	vmul.f32 v17, v14;
	v17 =	vbroadcast v50, $0xF  }
0x3c: {  	v51 =	vld.idx.msk [tilespmem:v6+s22+$0x0], $0xffff;
	v52, _, _ =	vpop (xrf2);
	v12 =	vadd.f32 v13, v12;
	v13 =	vmul.f32 v48, v14  }
0x3d: {  	v14 =	vld.idx.msk [tilespmem:v7+s20+$0x0], $0xffff;
	v10 =	vadd.f32 v11, v10;
	v11 =	vmul.f32 v15, v17;
	v15 =	vbroadcast v52, $0xF  }
0x3e: {  	v53 =	vld.idx.msk [tilespmem:v7+s22+$0x0], $0xffff;
	v54, _, _ =	vpop (xrf2);
	v12 =	vadd.f32 v13, v12;
	v13 =	vmul.f32 v49, v17  }
0x3f: {  	v17 =	vld.idx.msk [tilespmem:v8+s20+$0x0], $0xffff;
	v10 =	vadd.f32 v11, v10;
	v11 =	vmul.f32 v16, v15;
	v16 =	vbroadcast v54, $0xF  }
0x40: {  	v55 =	vld.idx.msk [tilespmem:v8+s22+$0x0], $0xffff  }
0x41: {  	v56, _, _ =	vpop (xrf2);
	v12 =	vadd.f32 v13, v12;
	v13 =	vmul.f32 v51, v15;
	v15 =	vld.idx.msk [tilespmem:v9+s20+$0x0], $0xffff  }
0x42: {  	v57 =	vld.idx.msk [tilespmem:v9+s22+$0x0], $0xffff;
	v10 =	vadd.f32 v11, v10;
	v11 =	vmul.f32 v14, v16;
	v14 =	vbroadcast v56, $0xF  }
0x43: {  	v12 =	vadd.f32 v13, v12;
	v13 =	vmul.f32 v53, v16;
	v16, _, _ =	vpop (xrf2)  }
0x44: {  	v10 =	vadd.f32 v11, v10;
	v11 =	vmul.f32 v17, v14;
	v16 =	vbroadcast v16, $0xF  }
0x45: {  	v12 =	vadd.f32 v13, v12;
	v13 =	vmul.f32 v55, v14  }
0x46: {  	v10 =	vadd.f32 v11, v10;
	v11 =	vmul.f32 v15, v16  }
0x47: {  	v12 =	vadd.f32 v13, v12;
	v13 =	vmul.f32 v57, v16  }
0x48: {  	v10 =	vadd.f32 v11, v10  }
0x49: {  	v11 =	vadd.f32 v13, v12  }
0x4a: {  	[tilespmem:$0x14900] =	vst v10  }
0x4b: {  	[tilespmem:$0x14980] =	vst v11  }
0x4c: {  	[tilespmem:s2], [sflag:$0x1] =	stream.strided.gather [hbm4b:s7+s25], $0x3000, s26, s25, $0x38;
	[tilespmem:$0x14A00] =	vst v63  }
0x4d: {  	s5 =	sadd.s32 $0x30000, s7;
	s6 =	simm.s32 $0x3000  }
0x4e: {  	[tilespmem:s6], [sflag:$0x1] =	stream.linear.gather [hbm4b:s5+s2], $0x200, $0x38;
	[tilespmem:$0x14A00] =	vst v63  }
0x4f: {  	_ =	swait.ge [sflag:s29], $0x3200  }
0x50: {  	[sflag:s29] =	ssyncset.done $0x0  }
0x51: {  	s24 =	simm.s32 $0x3400;
	[sflag:s29] =	ssyncadd.s32 $0xFFFFCE00  }
0x52: {  	[tilespmem:s24], [sflag:$0x1] =	stream.strided.gather [hbm4b:s9+s25], $0x3000, s26, s25, $0x38;
	[tilespmem:$0x14A00] =	vst v63  }
0x53: {  	s5 =	sadd.s32 $0x30000, s9;
	s6 =	simm.s32 $0x6400;
	s24 =	simm.s32 $0x40  }
0x54: {  	[tilespmem:s6], [sflag:$0x1] =	stream.linear.gather [hbm4b:s5+s2], $0x200, $0x38;
	[tilespmem:$0x14A00] =	vst v63  }
0x55: {  	v10 =	vld [tilespmem:s24+$0x30]  }
0x56: {  	v11 =	vld [tilespmem:s24+$0xFFFFFFD0]  }
0x57: {  	v12 =	vld [tilespmem:s24+$0xFFFFFFE0]  }
0x58: {  	v13 =	vld [tilespmem:s24+$0xFFFFFFF0]  }
0x59: {  	v14 =	vld [tilespmem:s24+$0x0]  }
0x5a: {  	v15 =	vld [tilespmem:s24+$0x10]  }
0x5b: {  	v16 =	vld [tilespmem:s24+$0x20]  }
0x5c: {  	v17 =	vld [tilespmem:s24+$0xFFFFFFC0]  }
0x5d: {  	v58 =	vld.idx.msk [tilespmem:v10+s0+$0x0], $0xffff  }
0x5e: {  	v59 =	vld.idx.msk [tilespmem:v11+s0+$0x0], $0xffff  }
0x5f: {  	v60 =	vld.idx.msk [tilespmem:v12+s0+$0x0], $0xffff  }
0x60: {  	v61 =	vld.idx.msk [tilespmem:v13+s0+$0x0], $0xffff  }
0x61: {  	v22 =	vld.idx.msk [tilespmem:v14+s0+$0x0], $0xffff  }
0x62: {  	s24 =	simm.s32 $0x6840;
	v23 =	vld.idx.msk [tilespmem:v15+s0+$0x0], $0xffff  }
0x63: {  	v24 =	vld.idx.msk [tilespmem:v16+s0+$0x0], $0xffff;
	[tilespmem:s24+$0x30] =	vst v58  }
0x64: {  	v62 =	vld.idx.msk [tilespmem:v17+s0+$0x0], $0xffff;
	[tilespmem:s24+$0xFFFFFFD0] =	vst v59  }
0x65: {  	[tilespmem:s24+$0xFFFFFFE0] =	vst v60;
	v18 =	vld.idx.msk [tilespmem:v10+s3+$0x0], $0xffff  }
0x66: {  	[tilespmem:s24+$0xFFFFFFF0] =	vst v61;
	v63 =	vld.idx.msk [tilespmem:v11+s3+$0x0], $0xffff  }
0x67: {  	[tilespmem:s24+$0x0] =	vst v22;
	v10 =	vld.idx.msk [tilespmem:v12+s3+$0x0], $0xffff  }
0x68: {  	[tilespmem:s24+$0x10] =	vst v23;
	v11 =	vld.idx.msk [tilespmem:v13+s3+$0x0], $0xffff  }
0x69: {  	[tilespmem:s24+$0x20] =	vst v24;
	v12 =	vld.idx.msk [tilespmem:v14+s3+$0x0], $0xffff  }
0x6a: {  	s4 =	simm.s32 $0xD040;
	[tilespmem:s24+$0xFFFFFFC0] =	vst v62;
	v13 =	vld.idx.msk [tilespmem:v15+s3+$0x0], $0xffff  }
0x6b: {  	v14 =	vld.idx.msk [tilespmem:v16+s3+$0x0], $0xffff;
	[tilespmem:s4+$0x30] =	vst v18  }
0x6c: {  	s5 =	simm.s32 $0x0;
	s6 =	simm.s32 $0xC0;
	v15 =	vld.idx.msk [tilespmem:v17+s3+$0x0], $0xffff;
	[tilespmem:s4+$0xFFFFFFD0] =	vst v63  }
.LBB2_2:
0x6d: {  	v16 =	vld [tilespmem:s6+$0x30];
	s5 =	sadd.s32 $0x8, s5;
	[tilespmem:s4+$0xFFFFFFE0] =	vst v10  }
0x6e: {  	v10 =	vld [tilespmem:s6+$0xFFFFFFD0];
	p0 =	slt.u32 s5, $0x318;
	[tilespmem:s4+$0xFFFFFFF0] =	vst v11  }
0x6f: {  	v11 =	vld [tilespmem:s6+$0xFFFFFFE0];
	[tilespmem:s4+$0x0] =	vst v12  }
0x70: {  	v12 =	vld [tilespmem:s6+$0xFFFFFFF0];
	[tilespmem:s4+$0x10] =	vst v13  }
0x71: {  	v13 =	vld [tilespmem:s6+$0x0];
	[tilespmem:s4+$0x20] =	vst v14  }
0x72: {  	v14 =	vld [tilespmem:s6+$0x10];
	[tilespmem:s4+$0xFFFFFFC0] =	vst v15  }
0x73: {  	v15 =	vld [tilespmem:s6+$0x20]  }
0x74: {  	v17 =	vld [tilespmem:s6+$0xFFFFFFC0]  }
0x75: {  	v18 =	vld.idx.msk [tilespmem:v16+s0+$0x0], $0xffff  }
0x76: {  	v19 =	vld.idx.msk [tilespmem:v10+s0+$0x0], $0xffff  }
0x77: {  	v20 =	vld.idx.msk [tilespmem:v11+s0+$0x0], $0xffff  }
0x78: {  	v21 =	vld.idx.msk [tilespmem:v12+s0+$0x0], $0xffff  }
0x79: {  	v22 =	vld.idx.msk [tilespmem:v13+s0+$0x0], $0xffff  }
0x7a: {  	s24 =	sadd.s32 $0x80, s24;
	v23 =	vld.idx.msk [tilespmem:v14+s0+$0x0], $0xffff  }
0x7b: {  	v24 =	vld.idx.msk [tilespmem:v15+s0+$0x0], $0xffff;
	[tilespmem:s24+$0x30] =	vst v18  }
0x7c: {  	[tilespmem:s24+$0xFFFFFFD0] =	vst v19;
	v16 =	vld.idx.msk [tilespmem:v16+s3+$0x0], $0xffff  }
0x7d: {  	v18 =	vld.idx.msk [tilespmem:v17+s0+$0x0], $0xffff;
	[tilespmem:s24+$0xFFFFFFE0] =	vst v20  }
0x7e: {  	v19 =	vld.idx.msk [tilespmem:v10+s3+$0x0], $0xffff;
	[tilespmem:s24+$0xFFFFFFF0] =	vst v21  }
0x7f: {  	v10 =	vld.idx.msk [tilespmem:v11+s3+$0x0], $0xffff;
	[tilespmem:s24+$0x0] =	vst v22  }
.Ltmp0:
0x80: {  	v11 =	vld.idx.msk [tilespmem:v12+s3+$0x0], $0xffff;
	[tilespmem:s24+$0x10] =	vst v23;
	(pc) =	sbr.rel @p0 .LBB2_2-.Ltmp0, $4  }
0x81: {  	s4 =	sadd.s32 $0x80, s4;
	v12 =	vld.idx.msk [tilespmem:v13+s3+$0x0], $0xffff;
	[tilespmem:s24+$0x20] =	vst v24  }
0x82: {  	v13 =	vld.idx.msk [tilespmem:v14+s3+$0x0], $0xffff;
	[tilespmem:s4+$0x30] =	vst v16  }
0x83: {  	[tilespmem:s24+$0xFFFFFFC0] =	vst v18;
	v14 =	vld.idx.msk [tilespmem:v15+s3+$0x0], $0xffff  }
0x84: {  	s6 =	sadd.s32 $0x80, s6;
	v15 =	vld.idx.msk [tilespmem:v17+s3+$0x0], $0xffff;
	[tilespmem:s4+$0xFFFFFFD0] =	vst v19  }
0x85: {  	[tilespmem:s4+$0xFFFFFFE0] =	vst v10  }
0x86: {  	[tilespmem:s4+$0xFFFFFFF0] =	vst v11  }
0x87: {  	[tilespmem:s4+$0x0] =	vst v12  }
0x88: {  	[tilespmem:s4+$0x10] =	vst v13  }
0x89: {  	[tilespmem:s4+$0x20] =	vst v14  }
0x8a: {  	s6 =	simm.s32 $0x6800;
	[tilespmem:s4+$0xFFFFFFC0] =	vst v15  }
0x8b: {  	[hbm4b:s8+s25] =	stream.strided.scatter [tilespmem:s6], [sflag:$0x2], $0x3000, s1, s25, $0x38;
	[tilespmem:$0x14A00] =	vst v63  }
0x8c: {  	s24 =	sadd.s32 $0x60000, s8;
	s5 =	simm.s32 $0x9800  }
0x8d: {  	[hbm4b:s24+s2] =	stream.linear.scatter [tilespmem:s5], [sflag:$0x2], $0x200, $0x38;
	[tilespmem:$0x14A00] =	vst v63  }
0x8e: {  	s5 =	simm.s32 $0xD000  }
0x8f: {  	[hbm4b:s10+s25] =	stream.strided.scatter [tilespmem:s5], [sflag:$0x2], $0x3000, s1, s25, $0x38;
	[tilespmem:$0x14A00] =	vst v63  }
0x90: {  	s6 =	sadd.s32 $0x60000, s10;
	s24 =	simm.s32 $0x10000  }
0x91: {  	[hbm4b:s6+s2] =	stream.linear.scatter [tilespmem:s24], [sflag:$0x2], $0x200, $0x38;
	[tilespmem:$0x14A00] =	vst v63  }
0x92: {  	_ =	swait.ge [sflag:s29], $0x3200  }
0x93: {  	[sflag:s29] =	ssyncset.done $0x0  }
0x94: {  	[sflag:s29] =	ssyncadd.s32 $0xFFFFCE00  }
0x95: {  	[tilespmem:s2], [sflag:$0x1] =	stream.strided.gather [hbm4b:s11+s25], $0x3000, s26, s25, $0x38;
	[tilespmem:$0x14A00] =	vst v63  }
0x96: {  	s5 =	sadd.s32 $0x30000, s11;
	s6 =	simm.s32 $0x3000;
	s24 =	simm.s32 $0x3440  }
0x97: {  	[tilespmem:s6], [sflag:$0x1] =	stream.linear.gather [hbm4b:s5+s2], $0x200, $0x38;
	[tilespmem:$0x14A00] =	vst v63  }
0x98: {  	v10 =	vld [tilespmem:s24+$0x30]  }
0x99: {  	v11 =	vld [tilespmem:s24+$0xFFFFFFD0]  }
0x9a: {  	v12 =	vld [tilespmem:s24+$0xFFFFFFE0]  }
0x9b: {  	v13 =	vld [tilespmem:s24+$0xFFFFFFF0]  }
0x9c: {  	v14 =	vld [tilespmem:s24+$0x0]  }
0x9d: {  	v15 =	vld [tilespmem:s24+$0x10]  }
0x9e: {  	v16 =	vld [tilespmem:s24+$0x20]  }
0x9f: {  	v17 =	vld [tilespmem:s24+$0xFFFFFFC0]  }
0xa0: {  	v18 =	vld.idx.msk [tilespmem:v10+s0+$0x0], $0xffff  }
0xa1: {  	v19 =	vld.idx.msk [tilespmem:v11+s0+$0x0], $0xffff  }
0xa2: {  	v20 =	vld.idx.msk [tilespmem:v12+s0+$0x0], $0xffff  }
0xa3: {  	v21 =	vld.idx.msk [tilespmem:v13+s0+$0x0], $0xffff  }
0xa4: {  	v22 =	vld.idx.msk [tilespmem:v14+s0+$0x0], $0xffff  }
0xa5: {  	s24 =	simm.s32 $0x9C40;
	v23 =	vld.idx.msk [tilespmem:v15+s0+$0x0], $0xffff  }
0xa6: {  	v24 =	vld.idx.msk [tilespmem:v16+s0+$0x0], $0xffff;
	[tilespmem:s24+$0x30] =	vst v18  }
0xa7: {  	v62 =	vld.idx.msk [tilespmem:v17+s0+$0x0], $0xffff;
	[tilespmem:s24+$0xFFFFFFD0] =	vst v19  }
0xa8: {  	[tilespmem:s24+$0xFFFFFFE0] =	vst v20;
	v18 =	vld.idx.msk [tilespmem:v10+s3+$0x0], $0xffff  }
0xa9: {  	[tilespmem:s24+$0xFFFFFFF0] =	vst v21;
	v63 =	vld.idx.msk [tilespmem:v11+s3+$0x0], $0xffff  }
0xaa: {  	[tilespmem:s24+$0x0] =	vst v22;
	v10 =	vld.idx.msk [tilespmem:v12+s3+$0x0], $0xffff  }
0xab: {  	[tilespmem:s24+$0x10] =	vst v23;
	v11 =	vld.idx.msk [tilespmem:v13+s3+$0x0], $0xffff  }
0xac: {  	[tilespmem:s24+$0x20] =	vst v24;
	v12 =	vld.idx.msk [tilespmem:v14+s3+$0x0], $0xffff  }
0xad: {  	s4 =	simm.s32 $0x10440;
	[tilespmem:s24+$0xFFFFFFC0] =	vst v62;
	v13 =	vld.idx.msk [tilespmem:v15+s3+$0x0], $0xffff  }
0xae: {  	v14 =	vld.idx.msk [tilespmem:v16+s3+$0x0], $0xffff;
	[tilespmem:s4+$0x30] =	vst v18  }
0xaf: {  	s5 =	simm.s32 $0x0;
	s6 =	simm.s32 $0x34C0;
	v15 =	vld.idx.msk [tilespmem:v17+s3+$0x0], $0xffff;
	[tilespmem:s4+$0xFFFFFFD0] =	vst v63  }
.LBB2_4:
0xb0: {  	v16 =	vld [tilespmem:s6+$0x30];
	s5 =	sadd.s32 $0x8, s5;
	[tilespmem:s4+$0xFFFFFFE0] =	vst v10  }
0xb1: {  	v10 =	vld [tilespmem:s6+$0xFFFFFFD0];
	p0 =	slt.u32 s5, $0x318;
	[tilespmem:s4+$0xFFFFFFF0] =	vst v11  }
0xb2: {  	v11 =	vld [tilespmem:s6+$0xFFFFFFE0];
	[tilespmem:s4+$0x0] =	vst v12  }
0xb3: {  	v12 =	vld [tilespmem:s6+$0xFFFFFFF0];
	[tilespmem:s4+$0x10] =	vst v13  }
0xb4: {  	v13 =	vld [tilespmem:s6+$0x0];
	[tilespmem:s4+$0x20] =	vst v14  }
0xb5: {  	v14 =	vld [tilespmem:s6+$0x10];
	[tilespmem:s4+$0xFFFFFFC0] =	vst v15  }
0xb6: {  	v15 =	vld [tilespmem:s6+$0x20]  }
0xb7: {  	v17 =	vld [tilespmem:s6+$0xFFFFFFC0]  }
0xb8: {  	v18 =	vld.idx.msk [tilespmem:v16+s0+$0x0], $0xffff  }
0xb9: {  	v19 =	vld.idx.msk [tilespmem:v10+s0+$0x0], $0xffff  }
0xba: {  	v20 =	vld.idx.msk [tilespmem:v11+s0+$0x0], $0xffff  }
0xbb: {  	v21 =	vld.idx.msk [tilespmem:v12+s0+$0x0], $0xffff  }
0xbc: {  	v22 =	vld.idx.msk [tilespmem:v13+s0+$0x0], $0xffff  }
0xbd: {  	s24 =	sadd.s32 $0x80, s24;
	v23 =	vld.idx.msk [tilespmem:v14+s0+$0x0], $0xffff  }
0xbe: {  	v24 =	vld.idx.msk [tilespmem:v15+s0+$0x0], $0xffff;
	[tilespmem:s24+$0x30] =	vst v18  }
0xbf: {  	[tilespmem:s24+$0xFFFFFFD0] =	vst v19;
	v16 =	vld.idx.msk [tilespmem:v16+s3+$0x0], $0xffff  }
0xc0: {  	v18 =	vld.idx.msk [tilespmem:v17+s0+$0x0], $0xffff;
	[tilespmem:s24+$0xFFFFFFE0] =	vst v20  }
0xc1: {  	v19 =	vld.idx.msk [tilespmem:v10+s3+$0x0], $0xffff;
	[tilespmem:s24+$0xFFFFFFF0] =	vst v21  }
0xc2: {  	v10 =	vld.idx.msk [tilespmem:v11+s3+$0x0], $0xffff;
	[tilespmem:s24+$0x0] =	vst v22  }
.Ltmp1:
0xc3: {  	v11 =	vld.idx.msk [tilespmem:v12+s3+$0x0], $0xffff;
	[tilespmem:s24+$0x10] =	vst v23;
	(pc) =	sbr.rel @p0 .LBB2_4-.Ltmp1, $4  }
0xc4: {  	s4 =	sadd.s32 $0x80, s4;
	v12 =	vld.idx.msk [tilespmem:v13+s3+$0x0], $0xffff;
	[tilespmem:s24+$0x20] =	vst v24  }
0xc5: {  	v13 =	vld.idx.msk [tilespmem:v14+s3+$0x0], $0xffff;
	[tilespmem:s4+$0x30] =	vst v16  }
0xc6: {  	[tilespmem:s24+$0xFFFFFFC0] =	vst v18;
	v14 =	vld.idx.msk [tilespmem:v15+s3+$0x0], $0xffff  }
0xc7: {  	s6 =	sadd.s32 $0x80, s6;
	v15 =	vld.idx.msk [tilespmem:v17+s3+$0x0], $0xffff;
	[tilespmem:s4+$0xFFFFFFD0] =	vst v19  }
0xc8: {  	[tilespmem:s4+$0xFFFFFFE0] =	vst v10  }
0xc9: {  	[tilespmem:s4+$0xFFFFFFF0] =	vst v11  }
0xca: {  	[tilespmem:s4+$0x0] =	vst v12  }
0xcb: {  	[tilespmem:s4+$0x10] =	vst v13  }
0xcc: {  	[tilespmem:s4+$0x20] =	vst v14  }
0xcd: {  	s5 =	simm.s32 $0x9C00;
	[tilespmem:s4+$0xFFFFFFC0] =	vst v15  }
0xce: {  	[hbm4b:s12+s25] =	stream.strided.scatter [tilespmem:s5], [sflag:$0x2], $0x3000, s1, s25, $0x38;
	[tilespmem:$0x14A00] =	vst v63  }
0xcf: {  	s6 =	sadd.s32 $0x60000, s12  }
0xd0: {  	[hbm4b:s6+s2] =	stream.linear.scatter [tilespmem:s19], [sflag:$0x2], $0x200, $0x38;
	[tilespmem:$0x14A00] =	vst v63  }
0xd1: {  	_ = 	snop  }
0xd2: {  	[hbm4b:s13+s25] =	stream.strided.scatter [tilespmem:s28], [sflag:$0x2], $0x3000, s1, s25, $0x38;
	[tilespmem:$0x14A00] =	vst v63  }
0xd3: {  	s24 =	sadd.s32 $0x60000, s13  }
0xd4: {  	[hbm4b:s24+s2] =	stream.linear.scatter [tilespmem:s30], [sflag:$0x2], $0x200, $0x38;
	[tilespmem:$0x14A00] =	vst v63  }
0xd5: {  	_ =	swait.ge [sflag:s29], $0x3200  }
0xd6: {  	[sflag:s29] =	ssyncset.done $0x0  }
0xd7: {  	s5 =	simm.s32 $0x3400;
	[sflag:s29] =	ssyncadd.s32 $0xFFFFCE00  }
0xd8: {  	[tilespmem:s5], [sflag:$0x1] =	stream.strided.gather [hbm4b:s14+s25], $0x3000, s26, s25, $0x38;
	[tilespmem:$0x14A00] =	vst v63  }
0xd9: {  	s6 =	sadd.s32 $0x30000, s14;
	s5 =	simm.s32 $0x6400  }
0xda: {  	[tilespmem:s5], [sflag:$0x1] =	stream.linear.gather [hbm4b:s6+s2], $0x200, $0x38;
	[tilespmem:$0x14A00] =	vst v63  }
0xdb: {  	_ =	swait.ge [sflag:s31], $0x3200  }
0xdc: {  	[sflag:s31] =	ssyncset.done $0x0  }
0xdd: {  	[sflag:s31] =	ssyncadd.s32 $0xFFFFCE00  }
0xde: {  	_ =	swait.ge [sflag:s31], $0x3200  }
0xdf: {  	[sflag:s31] =	ssyncset.done $0x0  }
0xe0: {  	s24 =	simm.s32 $0x40;
	[sflag:s31] =	ssyncadd.s32 $0xFFFFCE00  }
0xe1: {  	v10 =	vld [tilespmem:s24+$0x30]  }
0xe2: {  	v11 =	vld [tilespmem:s24+$0xFFFFFFD0]  }
0xe3: {  	v12 =	vld [tilespmem:s24+$0xFFFFFFE0]  }
0xe4: {  	v13 =	vld [tilespmem:s24+$0xFFFFFFF0]  }
0xe5: {  	v14 =	vld [tilespmem:s24+$0x0]  }
0xe6: {  	v15 =	vld [tilespmem:s24+$0x10]  }
0xe7: {  	v16 =	vld [tilespmem:s24+$0x20]  }
0xe8: {  	v17 =	vld [tilespmem:s24+$0xFFFFFFC0]  }
0xe9: {  	v18 =	vld.idx.msk [tilespmem:v10+s0+$0x0], $0xffff  }
0xea: {  	v19 =	vld.idx.msk [tilespmem:v11+s0+$0x0], $0xffff  }
0xeb: {  	v20 =	vld.idx.msk [tilespmem:v12+s0+$0x0], $0xffff  }
0xec: {  	v21 =	vld.idx.msk [tilespmem:v13+s0+$0x0], $0xffff  }
0xed: {  	v22 =	vld.idx.msk [tilespmem:v14+s0+$0x0], $0xffff  }
0xee: {  	s24 =	simm.s32 $0x6840;
	v23 =	vld.idx.msk [tilespmem:v15+s0+$0x0], $0xffff  }
0xef: {  	v24 =	vld.idx.msk [tilespmem:v16+s0+$0x0], $0xffff;
	[tilespmem:s24+$0x30] =	vst v18  }
0xf0: {  	v62 =	vld.idx.msk [tilespmem:v17+s0+$0x0], $0xffff;
	[tilespmem:s24+$0xFFFFFFD0] =	vst v19  }
0xf1: {  	[tilespmem:s24+$0xFFFFFFE0] =	vst v20;
	v18 =	vld.idx.msk [tilespmem:v10+s3+$0x0], $0xffff  }
0xf2: {  	[tilespmem:s24+$0xFFFFFFF0] =	vst v21;
	v63 =	vld.idx.msk [tilespmem:v11+s3+$0x0], $0xffff  }
0xf3: {  	[tilespmem:s24+$0x0] =	vst v22;
	v10 =	vld.idx.msk [tilespmem:v12+s3+$0x0], $0xffff  }
0xf4: {  	[tilespmem:s24+$0x10] =	vst v23;
	v11 =	vld.idx.msk [tilespmem:v13+s3+$0x0], $0xffff  }
0xf5: {  	[tilespmem:s24+$0x20] =	vst v24;
	v12 =	vld.idx.msk [tilespmem:v14+s3+$0x0], $0xffff  }
0xf6: {  	s4 =	simm.s32 $0xD040;
	[tilespmem:s24+$0xFFFFFFC0] =	vst v62;
	v13 =	vld.idx.msk [tilespmem:v15+s3+$0x0], $0xffff  }
0xf7: {  	v14 =	vld.idx.msk [tilespmem:v16+s3+$0x0], $0xffff;
	[tilespmem:s4+$0x30] =	vst v18  }
0xf8: {  	s5 =	simm.s32 $0x0;
	s6 =	simm.s32 $0xC0;
	v15 =	vld.idx.msk [tilespmem:v17+s3+$0x0], $0xffff;
	[tilespmem:s4+$0xFFFFFFD0] =	vst v63  }
.LBB2_6:
0xf9: {  	v16 =	vld [tilespmem:s6+$0x30];
	s5 =	sadd.s32 $0x8, s5;
	[tilespmem:s4+$0xFFFFFFE0] =	vst v10  }
0xfa: {  	v10 =	vld [tilespmem:s6+$0xFFFFFFD0];
	p0 =	slt.u32 s5, $0x318;
	[tilespmem:s4+$0xFFFFFFF0] =	vst v11  }
0xfb: {  	v11 =	vld [tilespmem:s6+$0xFFFFFFE0];
	[tilespmem:s4+$0x0] =	vst v12  }
0xfc: {  	v12 =	vld [tilespmem:s6+$0xFFFFFFF0];
	[tilespmem:s4+$0x10] =	vst v13  }
0xfd: {  	v13 =	vld [tilespmem:s6+$0x0];
	[tilespmem:s4+$0x20] =	vst v14  }
0xfe: {  	v14 =	vld [tilespmem:s6+$0x10];
	[tilespmem:s4+$0xFFFFFFC0] =	vst v15  }
0xff: {  	v15 =	vld [tilespmem:s6+$0x20]  }
0x100: {  	v17 =	vld [tilespmem:s6+$0xFFFFFFC0]  }
0x101: {  	v18 =	vld.idx.msk [tilespmem:v16+s0+$0x0], $0xffff  }
0x102: {  	v19 =	vld.idx.msk [tilespmem:v10+s0+$0x0], $0xffff  }
0x103: {  	v20 =	vld.idx.msk [tilespmem:v11+s0+$0x0], $0xffff  }
0x104: {  	v21 =	vld.idx.msk [tilespmem:v12+s0+$0x0], $0xffff  }
0x105: {  	v22 =	vld.idx.msk [tilespmem:v13+s0+$0x0], $0xffff  }
0x106: {  	s24 =	sadd.s32 $0x80, s24;
	v23 =	vld.idx.msk [tilespmem:v14+s0+$0x0], $0xffff  }
0x107: {  	v24 =	vld.idx.msk [tilespmem:v15+s0+$0x0], $0xffff;
	[tilespmem:s24+$0x30] =	vst v18  }
0x108: {  	[tilespmem:s24+$0xFFFFFFD0] =	vst v19;
	v16 =	vld.idx.msk [tilespmem:v16+s3+$0x0], $0xffff  }
0x109: {  	v18 =	vld.idx.msk [tilespmem:v17+s0+$0x0], $0xffff;
	[tilespmem:s24+$0xFFFFFFE0] =	vst v20  }
0x10a: {  	v19 =	vld.idx.msk [tilespmem:v10+s3+$0x0], $0xffff;
	[tilespmem:s24+$0xFFFFFFF0] =	vst v21  }
0x10b: {  	v10 =	vld.idx.msk [tilespmem:v11+s3+$0x0], $0xffff;
	[tilespmem:s24+$0x0] =	vst v22  }
.Ltmp2:
0x10c: {  	v11 =	vld.idx.msk [tilespmem:v12+s3+$0x0], $0xffff;
	[tilespmem:s24+$0x10] =	vst v23;
	(pc) =	sbr.rel @p0 .LBB2_6-.Ltmp2, $4  }
0x10d: {  	s4 =	sadd.s32 $0x80, s4;
	v12 =	vld.idx.msk [tilespmem:v13+s3+$0x0], $0xffff;
	[tilespmem:s24+$0x20] =	vst v24  }
0x10e: {  	v13 =	vld.idx.msk [tilespmem:v14+s3+$0x0], $0xffff;
	[tilespmem:s4+$0x30] =	vst v16  }
0x10f: {  	[tilespmem:s24+$0xFFFFFFC0] =	vst v18;
	v14 =	vld.idx.msk [tilespmem:v15+s3+$0x0], $0xffff  }
0x110: {  	s6 =	sadd.s32 $0x80, s6;
	v15 =	vld.idx.msk [tilespmem:v17+s3+$0x0], $0xffff;
	[tilespmem:s4+$0xFFFFFFD0] =	vst v19  }
0x111: {  	[tilespmem:s4+$0xFFFFFFE0] =	vst v10  }
0x112: {  	[tilespmem:s4+$0xFFFFFFF0] =	vst v11  }
0x113: {  	[tilespmem:s4+$0x0] =	vst v12  }
0x114: {  	[tilespmem:s4+$0x10] =	vst v13  }
0x115: {  	[tilespmem:s4+$0x20] =	vst v14  }
0x116: {  	s5 =	simm.s32 $0x6800;
	[tilespmem:s4+$0xFFFFFFC0] =	vst v15  }
0x117: {  	[hbm4b:s15+s25] =	stream.strided.scatter [tilespmem:s5], [sflag:$0x2], $0x3000, s1, s25, $0x38;
	[tilespmem:$0x14A00] =	vst v63  }
0x118: {  	s6 =	sadd.s32 $0x60000, s15;
	s5 =	simm.s32 $0x9800  }
0x119: {  	[hbm4b:s6+s2] =	stream.linear.scatter [tilespmem:s5], [sflag:$0x2], $0x200, $0x38;
	[tilespmem:$0x14A00] =	vst v63  }
0x11a: {  	s24 =	simm.s32 $0xD000  }
0x11b: {  	[hbm4b:s16+s25] =	stream.strided.scatter [tilespmem:s24], [sflag:$0x2], $0x3000, s1, s25, $0x38;
	[tilespmem:$0x14A00] =	vst v63  }
0x11c: {  	s5 =	sadd.s32 $0x60000, s16;
	s6 =	simm.s32 $0x10000  }
0x11d: {  	[hbm4b:s5+s2] =	stream.linear.scatter [tilespmem:s6], [sflag:$0x2], $0x200, $0x38;
	[tilespmem:$0x14A00] =	vst v63  }
0x11e: {  	_ =	swait.ge [sflag:s29], $0x3200  }
0x11f: {  	[sflag:s29] =	ssyncset.done $0x0  }
0x120: {  	[sflag:s29] =	ssyncadd.s32 $0xFFFFCE00  }
0x121: {  	_ =	swait.ge [sflag:s31], $0x3200  }
0x122: {  	[sflag:s31] =	ssyncset.done $0x0  }
0x123: {  	[sflag:s31] =	ssyncadd.s32 $0xFFFFCE00  }
0x124: {  	_ =	swait.ge [sflag:s31], $0x3200  }
0x125: {  	[sflag:s31] =	ssyncset.done $0x0  }
0x126: {  	s24 =	simm.s32 $0x3440;
	[sflag:s31] =	ssyncadd.s32 $0xFFFFCE00  }
0x127: {  	v10 =	vld [tilespmem:s24+$0x30]  }
0x128: {  	v11 =	vld [tilespmem:s24+$0xFFFFFFD0]  }
0x129: {  	v12 =	vld [tilespmem:s24+$0xFFFFFFE0]  }
0x12a: {  	v13 =	vld [tilespmem:s24+$0xFFFFFFF0]  }
0x12b: {  	v14 =	vld [tilespmem:s24+$0x0]  }
0x12c: {  	v15 =	vld [tilespmem:s24+$0x10]  }
0x12d: {  	v16 =	vld [tilespmem:s24+$0x20]  }
0x12e: {  	v17 =	vld [tilespmem:s24+$0xFFFFFFC0]  }
0x12f: {  	v18 =	vld.idx.msk [tilespmem:v10+s0+$0x0], $0xffff  }
0x130: {  	v19 =	vld.idx.msk [tilespmem:v11+s0+$0x0], $0xffff  }
0x131: {  	v20 =	vld.idx.msk [tilespmem:v12+s0+$0x0], $0xffff  }
0x132: {  	v21 =	vld.idx.msk [tilespmem:v13+s0+$0x0], $0xffff  }
0x133: {  	v22 =	vld.idx.msk [tilespmem:v14+s0+$0x0], $0xffff  }
0x134: {  	s24 =	simm.s32 $0x9C40;
	v23 =	vld.idx.msk [tilespmem:v15+s0+$0x0], $0xffff  }
0x135: {  	v24 =	vld.idx.msk [tilespmem:v16+s0+$0x0], $0xffff;
	[tilespmem:s24+$0x30] =	vst v18  }
0x136: {  	v62 =	vld.idx.msk [tilespmem:v17+s0+$0x0], $0xffff;
	[tilespmem:s24+$0xFFFFFFD0] =	vst v19  }
0x137: {  	[tilespmem:s24+$0xFFFFFFE0] =	vst v20;
	v18 =	vld.idx.msk [tilespmem:v10+s3+$0x0], $0xffff  }
0x138: {  	[tilespmem:s24+$0xFFFFFFF0] =	vst v21;
	v63 =	vld.idx.msk [tilespmem:v11+s3+$0x0], $0xffff  }
0x139: {  	[tilespmem:s24+$0x0] =	vst v22;
	v10 =	vld.idx.msk [tilespmem:v12+s3+$0x0], $0xffff  }
0x13a: {  	[tilespmem:s24+$0x10] =	vst v23;
	v11 =	vld.idx.msk [tilespmem:v13+s3+$0x0], $0xffff  }
0x13b: {  	[tilespmem:s24+$0x20] =	vst v24;
	v12 =	vld.idx.msk [tilespmem:v14+s3+$0x0], $0xffff  }
0x13c: {  	s4 =	simm.s32 $0x10440;
	[tilespmem:s24+$0xFFFFFFC0] =	vst v62;
	v13 =	vld.idx.msk [tilespmem:v15+s3+$0x0], $0xffff  }
0x13d: {  	v14 =	vld.idx.msk [tilespmem:v16+s3+$0x0], $0xffff;
	[tilespmem:s4+$0x30] =	vst v18  }
0x13e: {  	s5 =	simm.s32 $0x0;
	s6 =	simm.s32 $0x34C0;
	v15 =	vld.idx.msk [tilespmem:v17+s3+$0x0], $0xffff;
	[tilespmem:s4+$0xFFFFFFD0] =	vst v63  }
.LBB2_8:
0x13f: {  	v16 =	vld [tilespmem:s6+$0x30];
	s5 =	sadd.s32 $0x8, s5;
	[tilespmem:s4+$0xFFFFFFE0] =	vst v10  }
0x140: {  	v10 =	vld [tilespmem:s6+$0xFFFFFFD0];
	p0 =	slt.u32 s5, $0x318;
	[tilespmem:s4+$0xFFFFFFF0] =	vst v11  }
0x141: {  	v11 =	vld [tilespmem:s6+$0xFFFFFFE0];
	[tilespmem:s4+$0x0] =	vst v12  }
0x142: {  	v12 =	vld [tilespmem:s6+$0xFFFFFFF0];
	[tilespmem:s4+$0x10] =	vst v13  }
0x143: {  	v13 =	vld [tilespmem:s6+$0x0];
	[tilespmem:s4+$0x20] =	vst v14  }
0x144: {  	v14 =	vld [tilespmem:s6+$0x10];
	[tilespmem:s4+$0xFFFFFFC0] =	vst v15  }
0x145: {  	v15 =	vld [tilespmem:s6+$0x20]  }
0x146: {  	v17 =	vld [tilespmem:s6+$0xFFFFFFC0]  }
0x147: {  	v18 =	vld.idx.msk [tilespmem:v16+s0+$0x0], $0xffff  }
0x148: {  	v19 =	vld.idx.msk [tilespmem:v10+s0+$0x0], $0xffff  }
0x149: {  	v20 =	vld.idx.msk [tilespmem:v11+s0+$0x0], $0xffff  }
0x14a: {  	v21 =	vld.idx.msk [tilespmem:v12+s0+$0x0], $0xffff  }
0x14b: {  	v22 =	vld.idx.msk [tilespmem:v13+s0+$0x0], $0xffff  }
0x14c: {  	s24 =	sadd.s32 $0x80, s24;
	v23 =	vld.idx.msk [tilespmem:v14+s0+$0x0], $0xffff  }
0x14d: {  	v24 =	vld.idx.msk [tilespmem:v15+s0+$0x0], $0xffff;
	[tilespmem:s24+$0x30] =	vst v18  }
0x14e: {  	[tilespmem:s24+$0xFFFFFFD0] =	vst v19;
	v16 =	vld.idx.msk [tilespmem:v16+s3+$0x0], $0xffff  }
0x14f: {  	v18 =	vld.idx.msk [tilespmem:v17+s0+$0x0], $0xffff;
	[tilespmem:s24+$0xFFFFFFE0] =	vst v20  }
0x150: {  	v19 =	vld.idx.msk [tilespmem:v10+s3+$0x0], $0xffff;
	[tilespmem:s24+$0xFFFFFFF0] =	vst v21  }
0x151: {  	v10 =	vld.idx.msk [tilespmem:v11+s3+$0x0], $0xffff;
	[tilespmem:s24+$0x0] =	vst v22  }
.Ltmp3:
0x152: {  	v11 =	vld.idx.msk [tilespmem:v12+s3+$0x0], $0xffff;
	[tilespmem:s24+$0x10] =	vst v23;
	(pc) =	sbr.rel @p0 .LBB2_8-.Ltmp3, $4  }
0x153: {  	s4 =	sadd.s32 $0x80, s4;
	v12 =	vld.idx.msk [tilespmem:v13+s3+$0x0], $0xffff;
	[tilespmem:s24+$0x20] =	vst v24  }
0x154: {  	v13 =	vld.idx.msk [tilespmem:v14+s3+$0x0], $0xffff;
	[tilespmem:s4+$0x30] =	vst v16  }
0x155: {  	[tilespmem:s24+$0xFFFFFFC0] =	vst v18;
	v14 =	vld.idx.msk [tilespmem:v15+s3+$0x0], $0xffff  }
0x156: {  	s6 =	sadd.s32 $0x80, s6;
	v15 =	vld.idx.msk [tilespmem:v17+s3+$0x0], $0xffff;
	[tilespmem:s4+$0xFFFFFFD0] =	vst v19  }
0x157: {  	[tilespmem:s4+$0xFFFFFFE0] =	vst v10  }
0x158: {  	[tilespmem:s4+$0xFFFFFFF0] =	vst v11  }
0x159: {  	[tilespmem:s4+$0x0] =	vst v12  }
0x15a: {  	[tilespmem:s4+$0x10] =	vst v13  }
0x15b: {  	[tilespmem:s4+$0x20] =	vst v14  }
0x15c: {  	s24 =	simm.s32 $0x9C00;
	[tilespmem:s4+$0xFFFFFFC0] =	vst v15  }
0x15d: {  	[hbm4b:s17+s25] =	stream.strided.scatter [tilespmem:s24], [sflag:$0x2], $0x3000, s1, s25, $0x38;
	[tilespmem:$0x14A00] =	vst v63  }
0x15e: {  	s5 =	sadd.s32 $0x60000, s17  }
0x15f: {  	[hbm4b:s5+s2] =	stream.linear.scatter [tilespmem:s19], [sflag:$0x2], $0x200, $0x38;
	[tilespmem:$0x14A00] =	vst v63  }
0x160: {  	_ = 	snop  }
0x161: {  	[hbm4b:s18+s25] =	stream.strided.scatter [tilespmem:s28], [sflag:$0x2], $0x3000, s1, s25, $0x38;
	[tilespmem:$0x14A00] =	vst v63  }
0x162: {  	s6 =	sadd.s32 $0x60000, s18  }
0x163: {  	[hbm4b:s6+s2] =	stream.linear.scatter [tilespmem:s30], [sflag:$0x2], $0x200, $0x38;
	[tilespmem:$0x14A00] =	vst v63  }
0x164: {  	_ =	swait.ge [sflag:s31], $0x3200  }
0x165: {  	[sflag:s31] =	ssyncset.done $0x0  }
0x166: {  	[sflag:s31] =	ssyncadd.s32 $0xFFFFCE00  }
0x167: {  	_ =	swait.ge [sflag:s31], $0x3200  }
0x168: {  	[sflag:s31] =	ssyncset.done $0x0  }
0x169: {  	[sflag:s31] =	ssyncadd.s32 $0xFFFFCE00  }
0x16a: {  	_ =	swait.ge [sflag:s31], $0x3200  }
0x16b: {  	[sflag:s31] =	ssyncset.done $0x0  }
0x16c: {  	[sflag:s31] =	ssyncadd.s32 $0xFFFFCE00  }
0x16d: {  	_ =	swait.ge [sflag:s31], $0x3200  }
0x16e: {  	s23 =	sadd.s32 $0x1, s23;
	s24 =	rddreg [dreg:$0x7]  }
0x16f: {  	p0 =	sne.s32 s23, s24  }
.Ltmp4:
0x170: {  	_ = 	snop;
	(pc) =	sbr.rel @p0 .LBB2_1-.Ltmp4, $3  }
0x171: {  	_ =	sdelay $0x1  }
0x172: {  	[sflag:s31] =	ssyncset.done $0x0  }
0x173: {  	[sflag:s31] =	ssyncadd.s32 $0xFFFFCE00  }
0x174: {  	_ =	sfence.sel $0x180000  }
0x175: {  	[bflag:$0x0] =	sbarrier.arrive $0xFFFF  }
0x176: {  	_ =	strace $0x90000047  }
0x177: {  	s0 =	stileid.u32;
	[bflag:$0x2] =	sbarrier.arrive $0xFFFF  }
0x178: {  	p0 =	sne.s32 s0, $0x0;
	s0 =	rddreg [dreg:$0x3]  }
0x179: {  	s0 =	sadd.s32 @!p0 $0x100000, s0  }
0x17a: {  	[sflag:s0] =	ssyncadd.tile.s32 @!p0 $0x1;
	_ =	shalt  }
.Lfunc_end2:
_tile_overlayer_lowered:
.L_overlay_start_2:
0x17b: {  	(tag) =	ssettag $0x2  }
0x17c: {  	s0 =	rddreg [dreg:$0x0];
	s2 =	stileid.u32  }
0x17d: {  	s1 =	rddreg [dreg:$0x1];
	p0 =	sne.s32 s2, $0x0  }
0x17e: {  	s3 =	rddreg [dreg:$0x2];
	[bflag:$0x3] =	sbarrier.arrive $0xFFFF;
	s2 =	simm.s32 @!p0 $0x1C03  }
0x17f: {  	[timem:s3], [sflag:s2] =	dma.local @!p0 [hbm:s0], s1  }
0x180: {  	s0 =	simm.s32 @!p0 $0x3  }
0x181: {  	_ =	swait.ge @!p0 [sflag:s0], s1  }
0x182: {  	s1 =	ssub.s32 @!p0 $0x0, s1;
	[sflag:s0] =	ssyncset.done @!p0 $0x0  }
0x183: {  	[sflag:s0] =	ssyncadd.s32 @!p0 s1  }
0x184: {  	[bflag:$0x3] =	sbarrier.arrive $0xFFFF  }
0x185: {  	_ =	shalt  }

</sc_bundles>
